<compile_context>
chip_gen: v7x
topology: tpu7x:2x2x1
jax: 0.10.2.dev20260603
libtpu: 0.0.44.dev20260713+nightly
codegen_flags: <defaults>
</compile_context>

<pallas_src>
import functools

import jax
import jax.numpy as jnp
from jax import lax
from jax.experimental import pallas as pl
from jax.experimental.pallas import tpu as pltpu
from jax.experimental.pallas import tpu_sc as plsc

_BN = 1024


_KC = 2048


def _k1_body(sx_ref, x_ref, e_ref, se_ref, idx_ref, msum_ref):
    xb = x_ref[...]
    bn = xb.shape[0]
    k = e_ref.shape[1]
    sx = sx_ref[...]
    acc_vb = jnp.full((bn, 1), jnp.inf, jnp.float32)
    acc_vf = jnp.full((bn, 1), jnp.inf, jnp.float32)
    acc_i = jnp.zeros((bn, 1), jnp.int32)
    iota = lax.broadcasted_iota(jnp.int32, (bn, _KC), 1)
    for c in range(k // _KC):
        eb = e_ref[:, c * _KC:(c + 1) * _KC]
        mm = lax.dot_general(xb, eb, (((1,), (0,)), ((), ())),
                             preferred_element_type=jnp.float32)
        dist = sx + mm + se_ref[:, c * _KC:(c + 1) * _KC]
        mv = jnp.min(dist, axis=1, keepdims=True)
        mi = jnp.min(jnp.where(dist == mv, iota, _KC),
                     axis=1, keepdims=True)
        upd = mv < acc_vb
        acc_i = jnp.where(upd, mi + c * _KC, acc_i)
        acc_vf = jnp.where(upd, mv, acc_vf)
        acc_vb = jnp.where(upd, mv.astype(jnp.bfloat16).astype(jnp.float32),
                           acc_vb)
    idx_ref[...] = acc_i
    msum_ref[...] = jnp.sum(acc_vf).reshape(1, 1, 1)


def _k2_body(e_ref, et_ref, se_ref, em2_ref):
    eb = e_ref[...]
    et_ref[...] = eb.T
    se_ref[...] = jnp.sum(eb ** 2, axis=0, keepdims=True)
    em2_ref[...] = eb * -2.0


def _make_sc_gather(n, d, k):
    info = plsc.get_sparse_core_info()
    nw = info.num_cores * info.num_subcores
    b_per_w = n // nw
    chunk = 192
    nchunks = b_per_w // chunk

    @functools.partial(
        pl.kernel,
        out_type=jax.ShapeDtypeStruct((n, d), jnp.float32),
        mesh=plsc.VectorSubcoreMesh(core_axis_name="c", subcore_axis_name="s"),
        scratch_types=[
            pltpu.VMEM((chunk,), jnp.int32),
            pltpu.VMEM((chunk, d), jnp.float32),
            pltpu.SemaphoreType.DMA,
        ],
    )
    def gather(table_hbm, idx_hbm, out_hbm, idx_v, rows_v, sem):
        wid = lax.axis_index("s") * info.num_cores + lax.axis_index("c")
        for c in range(nchunks):
            base = wid * b_per_w + c * chunk
            pltpu.sync_copy(idx_hbm.at[pl.ds(base, chunk)], idx_v)
            pltpu.async_copy(table_hbm.at[idx_v], rows_v, sem).wait()
            pltpu.sync_copy(rows_v, out_hbm.at[pl.ds(base, chunk)])

    return gather


def kernel(inputs, embeddings):
    b, t, d = inputs.shape
    k = embeddings.shape[1]
    n = b * t
    flat = inputs.reshape(n, d)
    sx = jnp.sum(flat ** 2, axis=1, keepdims=True)

    bk = 2048
    e_t, se, em2 = pl.pallas_call(
        _k2_body,
        grid=(k // bk,),
        in_specs=[pl.BlockSpec((d, bk), lambda i: (0, i))],
        out_specs=[pl.BlockSpec((bk, d), lambda i: (i, 0)),
                   pl.BlockSpec((1, bk), lambda i: (0, i)),
                   pl.BlockSpec((d, bk), lambda i: (0, i))],
        out_shape=[jax.ShapeDtypeStruct((k, d), jnp.float32),
                   jax.ShapeDtypeStruct((1, k), jnp.float32),
                   jax.ShapeDtypeStruct((d, k), jnp.float32)],
    )(embeddings)

    grid = n // _BN
    idx, msum = pl.pallas_call(
        _k1_body,
        grid=(grid,),
        in_specs=[pl.BlockSpec((_BN, 1), lambda i: (i, 0)),
                  pl.BlockSpec((_BN, d), lambda i: (i, 0)),
                  pl.BlockSpec((d, k), lambda i: (0, 0)),
                  pl.BlockSpec((1, k), lambda i: (0, 0))],
        out_specs=[pl.BlockSpec((_BN, 1), lambda i: (i, 0)),
                   pl.BlockSpec((1, 1, 1), lambda i: (i, 0, 0))],
        out_shape=[jax.ShapeDtypeStruct((n, 1), jnp.int32),
                   jax.ShapeDtypeStruct((grid, 1, 1), jnp.float32)],
    )(sx, flat, em2, se)

    loss = 1.25 * jnp.sum(msum) / (n * d)

    q = _make_sc_gather(n, d, k)(e_t, idx.reshape(n))

    return q.reshape(b, t, d), loss

# --- scband reference (transcript-rebuilt; emitter-appended) ---
"""Pipeline reference for scband-vqlayer-83743272337562 (READ-ONLY COPY).

The authoritative reference and input builder live on the scoring server;
editing this copy changes nothing except your own understanding.
"""

import jax, jax.numpy as jnp
import numpy as np

B, T, D, K = 32, 576, 256, 8192
COMMITMENT_COST = 0.25

def setup_inputs(seed: int = 0) -> dict:
    key = jax.random.key(seed)
    k1, k2 = jax.random.split(key)
    inputs = jax.random.normal(k1, (B, T, D), dtype=jnp.float32)
    # embeddings stored as [D, K] as in the Keras layer (lecun_normal ~ scale 1/sqrt(fan_in))
    embeddings = jax.random.normal(k2, (D, K), dtype=jnp.float32) * (1.0 / np.sqrt(D))
    return {"inputs": inputs, "embeddings": embeddings}

def reference(inputs, embeddings):
    d = embeddings.shape[0]
    flat_inputs = inputs.reshape(-1, d)
    distances = (jnp.sum(flat_inputs ** 2, axis=1, keepdims=True)
                 - 2.0 * (flat_inputs @ embeddings)
                 + jnp.sum(embeddings ** 2, axis=0, keepdims=True))
    encoding_indices = jnp.argmin(distances, axis=1)
    encoding_indices = encoding_indices.reshape(inputs.shape[:-1])
    quantized = jnp.take(embeddings.T, encoding_indices, axis=0)
    e_latent_loss = jnp.mean((jax.lax.stop_gradient(quantized) - inputs) ** 2)
    q_latent_loss = jnp.mean((quantized - jax.lax.stop_gradient(inputs)) ** 2)
    loss = q_latent_loss + COMMITMENT_COST * e_latent_loss
    quantized_st = inputs + jax.lax.stop_gradient(quantized - inputs)
    return quantized_st, loss

if __name__ == "__main__":
    import jax
    _d = setup_inputs()
    print(jax.jit(kernel)(*tuple(_d.values())))

</pallas_src>

<mosaic_0001>
#map = affine_map<(d0, d1) -> (0, 0)>
#map1 = affine_map<(d0, d1) -> (0)>
module attributes {stable_mosaic.version = 14 : i64} {
  func.func @gather(%arg0: i32, %arg1: i32, %arg2: memref<8192x256xf32, #tpu.memory_space<hbm>>, %arg3: memref<18432xi32, #tpu.memory_space<hbm>>, %arg4: memref<18432x256xf32, #tpu.memory_space<hbm>>, %arg5: memref<192xi32, #tpu.memory_space<vmem>>, %arg6: memref<192x256xf32, #tpu.memory_space<vmem>>, %arg7: memref<!tpu.dma_semaphore, #tpu.memory_space<semaphore_mem>>) attributes {dimension_semantics = [#tpu.dimension_semantics<core_parallel>, #tpu.dimension_semantics<subcore_parallel>], iteration_bounds = array<i64: 2, 16>, scalar_prefetch = 0 : i64, scratch_operands = 3 : i64, tpu.core_type = #tpu.core_type<sc_vector_subcore>, window_params = [{transform_indices = #map}, {transform_indices = #map1}, {transform_indices = #map}]} {
    %mul3A = arith.constant 2 : i32
    %mul3A_0 = arith.muli %arg1, %mul3A : i32
    %add3A = arith.addi %mul3A_0, %arg0 : i32
    %mul3A_1 = arith.constant 576 : i32
    %mul3A_2 = arith.muli %add3A, %mul3A_1 : i32
    %add3A_3 = arith.constant 0 : i32
    %add3A_4 = arith.addi %mul3A_2, %add3A_3 : i32
    "tpu.region"() ({
      %run_scoped3A = tpu.sem_alloc : memref<!tpu.dma_semaphore, #tpu.memory_space<semaphore_mem>>
      %dma_start3A_29 = tpu.memref_slice %arg3[%add3A_4] : memref<18432xi32, #tpu.memory_space<hbm>> -> memref<192xi32, #tpu.memory_space<hbm>>
      %dma_start3A_30 = tpu.memref_slice %arg3[%add3A_4] : memref<18432xi32, #tpu.memory_space<hbm>> -> memref<192xi32, #tpu.memory_space<hbm>>
      tpu.enqueue_dma source(%dma_start3A_30 : memref<192xi32, #tpu.memory_space<hbm>>) target(%arg5 : memref<192xi32, #tpu.memory_space<vmem>>) target_semaphore(%run_scoped3A : memref<!tpu.dma_semaphore, #tpu.memory_space<semaphore_mem>>)
      %dma_wait3A_31 = tpu.memref_slice %arg3[%add3A_4] : memref<18432xi32, #tpu.memory_space<hbm>> -> memref<192xi32, #tpu.memory_space<hbm>>
      %dma_wait3A_32 = tpu.memref_slice %arg3[%add3A_4] : memref<18432xi32, #tpu.memory_space<hbm>> -> memref<192xi32, #tpu.memory_space<hbm>>
      tpu.wait_dma2 semaphore(%run_scoped3A : memref<!tpu.dma_semaphore, #tpu.memory_space<semaphore_mem>>) src(%dma_wait3A_32 : memref<192xi32, #tpu.memory_space<hbm>>) dst(%arg5 : memref<192xi32, #tpu.memory_space<vmem>>)
      tpu.yield
    }) : () -> ()
    %dma_start3A = arith.constant 0 : i32
    %dma_start3A_5 = arith.constant 0 : i32
    %dma_start3A_6 = tpu.memref_slice %arg2[%dma_start3A, %dma_start3A_5] : memref<8192x256xf32, #tpu.memory_space<hbm>> -> memref<8192x256xf32, #tpu.memory_space<hbm>>
    tpu.enqueue_indirect_dma source(%dma_start3A_6 : memref<8192x256xf32, #tpu.memory_space<hbm>>) target(%arg6 : memref<192x256xf32, #tpu.memory_space<vmem>>) offsets(%arg5 : memref<192xi32, #tpu.memory_space<vmem>>) semaphore(%arg7 : memref<!tpu.dma_semaphore, #tpu.memory_space<semaphore_mem>>)
    %dma_wait3A = arith.constant 0 : i32
    %dma_wait3A_7 = arith.constant 0 : i32
    %dma_wait3A_8 = tpu.memref_slice %arg2[%dma_wait3A, %dma_wait3A_7] : memref<8192x256xf32, #tpu.memory_space<hbm>> -> memref<8192x256xf32, #tpu.memory_space<hbm>>
    tpu.wait_indirect_dma semaphore(%arg7 : memref<!tpu.dma_semaphore, #tpu.memory_space<semaphore_mem>>) src(%dma_wait3A_8 : memref<8192x256xf32, #tpu.memory_space<hbm>>) dst(%arg6 : memref<192x256xf32, #tpu.memory_space<vmem>>)
    "tpu.region"() ({
      %run_scoped3A = tpu.sem_alloc : memref<!tpu.dma_semaphore, #tpu.memory_space<semaphore_mem>>
      %dma_start3A_29 = arith.constant 0 : i32
      %dma_start3A_30 = tpu.memref_slice %arg4[%add3A_4, %dma_start3A_29] : memref<18432x256xf32, #tpu.memory_space<hbm>> -> memref<192x256xf32, #tpu.memory_space<hbm>>
      %dma_start3A_31 = arith.constant 0 : i32
      %dma_start3A_32 = tpu.memref_slice %arg4[%add3A_4, %dma_start3A_31] : memref<18432x256xf32, #tpu.memory_space<hbm>> -> memref<192x256xf32, #tpu.memory_space<hbm>>
      tpu.enqueue_dma source(%arg6 : memref<192x256xf32, #tpu.memory_space<vmem>>) target(%dma_start3A_32 : memref<192x256xf32, #tpu.memory_space<hbm>>) target_semaphore(%run_scoped3A : memref<!tpu.dma_semaphore, #tpu.memory_space<semaphore_mem>>)
      %dma_wait3A_33 = arith.constant 0 : i32
      %dma_wait3A_34 = tpu.memref_slice %arg4[%add3A_4, %dma_wait3A_33] : memref<18432x256xf32, #tpu.memory_space<hbm>> -> memref<192x256xf32, #tpu.memory_space<hbm>>
      %dma_wait3A_35 = arith.constant 0 : i32
      %dma_wait3A_36 = tpu.memref_slice %arg4[%add3A_4, %dma_wait3A_35] : memref<18432x256xf32, #tpu.memory_space<hbm>> -> memref<192x256xf32, #tpu.memory_space<hbm>>
      tpu.wait_dma2 semaphore(%run_scoped3A : memref<!tpu.dma_semaphore, #tpu.memory_space<semaphore_mem>>) src(%arg6 : memref<192x256xf32, #tpu.memory_space<vmem>>) dst(%dma_wait3A_36 : memref<192x256xf32, #tpu.memory_space<hbm>>)
      tpu.yield
    }) : () -> ()
    %mul3A_9 = arith.constant 576 : i32
    %mul3A_10 = arith.muli %add3A, %mul3A_9 : i32
    %add3A_11 = arith.constant 192 : i32
    %add3A_12 = arith.addi %mul3A_10, %add3A_11 : i32
    "tpu.region"() ({
      %run_scoped3A = tpu.sem_alloc : memref<!tpu.dma_semaphore, #tpu.memory_space<semaphore_mem>>
      %dma_start3A_29 = tpu.memref_slice %arg3[%add3A_12] : memref<18432xi32, #tpu.memory_space<hbm>> -> memref<192xi32, #tpu.memory_space<hbm>>
      %dma_start3A_30 = tpu.memref_slice %arg3[%add3A_12] : memref<18432xi32, #tpu.memory_space<hbm>> -> memref<192xi32, #tpu.memory_space<hbm>>
      tpu.enqueue_dma source(%dma_start3A_30 : memref<192xi32, #tpu.memory_space<hbm>>) target(%arg5 : memref<192xi32, #tpu.memory_space<vmem>>) target_semaphore(%run_scoped3A : memref<!tpu.dma_semaphore, #tpu.memory_space<semaphore_mem>>)
      %dma_wait3A_31 = tpu.memref_slice %arg3[%add3A_12] : memref<18432xi32, #tpu.memory_space<hbm>> -> memref<192xi32, #tpu.memory_space<hbm>>
      %dma_wait3A_32 = tpu.memref_slice %arg3[%add3A_12] : memref<18432xi32, #tpu.memory_space<hbm>> -> memref<192xi32, #tpu.memory_space<hbm>>
      tpu.wait_dma2 semaphore(%run_scoped3A : memref<!tpu.dma_semaphore, #tpu.memory_space<semaphore_mem>>) src(%dma_wait3A_32 : memref<192xi32, #tpu.memory_space<hbm>>) dst(%arg5 : memref<192xi32, #tpu.memory_space<vmem>>)
      tpu.yield
    }) : () -> ()
    %dma_start3A_13 = arith.constant 0 : i32
    %dma_start3A_14 = arith.constant 0 : i32
    %dma_start3A_15 = tpu.memref_slice %arg2[%dma_start3A_13, %dma_start3A_14] : memref<8192x256xf32, #tpu.memory_space<hbm>> -> memref<8192x256xf32, #tpu.memory_space<hbm>>
    tpu.enqueue_indirect_dma source(%dma_start3A_15 : memref<8192x256xf32, #tpu.memory_space<hbm>>) target(%arg6 : memref<192x256xf32, #tpu.memory_space<vmem>>) offsets(%arg5 : memref<192xi32, #tpu.memory_space<vmem>>) semaphore(%arg7 : memref<!tpu.dma_semaphore, #tpu.memory_space<semaphore_mem>>)
    %dma_wait3A_16 = arith.constant 0 : i32
    %dma_wait3A_17 = arith.constant 0 : i32
    %dma_wait3A_18 = tpu.memref_slice %arg2[%dma_wait3A_16, %dma_wait3A_17] : memref<8192x256xf32, #tpu.memory_space<hbm>> -> memref<8192x256xf32, #tpu.memory_space<hbm>>
    tpu.wait_indirect_dma semaphore(%arg7 : memref<!tpu.dma_semaphore, #tpu.memory_space<semaphore_mem>>) src(%dma_wait3A_18 : memref<8192x256xf32, #tpu.memory_space<hbm>>) dst(%arg6 : memref<192x256xf32, #tpu.memory_space<vmem>>)
    "tpu.region"() ({
      %run_scoped3A = tpu.sem_alloc : memref<!tpu.dma_semaphore, #tpu.memory_space<semaphore_mem>>
      %dma_start3A_29 = arith.constant 0 : i32
      %dma_start3A_30 = tpu.memref_slice %arg4[%add3A_12, %dma_start3A_29] : memref<18432x256xf32, #tpu.memory_space<hbm>> -> memref<192x256xf32, #tpu.memory_space<hbm>>
      %dma_start3A_31 = arith.constant 0 : i32
      %dma_start3A_32 = tpu.memref_slice %arg4[%add3A_12, %dma_start3A_31] : memref<18432x256xf32, #tpu.memory_space<hbm>> -> memref<192x256xf32, #tpu.memory_space<hbm>>
      tpu.enqueue_dma source(%arg6 : memref<192x256xf32, #tpu.memory_space<vmem>>) target(%dma_start3A_32 : memref<192x256xf32, #tpu.memory_space<hbm>>) target_semaphore(%run_scoped3A : memref<!tpu.dma_semaphore, #tpu.memory_space<semaphore_mem>>)
      %dma_wait3A_33 = arith.constant 0 : i32
      %dma_wait3A_34 = tpu.memref_slice %arg4[%add3A_12, %dma_wait3A_33] : memref<18432x256xf32, #tpu.memory_space<hbm>> -> memref<192x256xf32, #tpu.memory_space<hbm>>
      %dma_wait3A_35 = arith.constant 0 : i32
      %dma_wait3A_36 = tpu.memref_slice %arg4[%add3A_12, %dma_wait3A_35] : memref<18432x256xf32, #tpu.memory_space<hbm>> -> memref<192x256xf32, #tpu.memory_space<hbm>>
      tpu.wait_dma2 semaphore(%run_scoped3A : memref<!tpu.dma_semaphore, #tpu.memory_space<semaphore_mem>>) src(%arg6 : memref<192x256xf32, #tpu.memory_space<vmem>>) dst(%dma_wait3A_36 : memref<192x256xf32, #tpu.memory_space<hbm>>)
      tpu.yield
    }) : () -> ()
    %mul3A_19 = arith.constant 576 : i32
    %mul3A_20 = arith.muli %add3A, %mul3A_19 : i32
    %add3A_21 = arith.constant 384 : i32
    %add3A_22 = arith.addi %mul3A_20, %add3A_21 : i32
    "tpu.region"() ({
      %run_scoped3A = tpu.sem_alloc : memref<!tpu.dma_semaphore, #tpu.memory_space<semaphore_mem>>
      %dma_start3A_29 = tpu.memref_slice %arg3[%add3A_22] : memref<18432xi32, #tpu.memory_space<hbm>> -> memref<192xi32, #tpu.memory_space<hbm>>
      %dma_start3A_30 = tpu.memref_slice %arg3[%add3A_22] : memref<18432xi32, #tpu.memory_space<hbm>> -> memref<192xi32, #tpu.memory_space<hbm>>
      tpu.enqueue_dma source(%dma_start3A_30 : memref<192xi32, #tpu.memory_space<hbm>>) target(%arg5 : memref<192xi32, #tpu.memory_space<vmem>>) target_semaphore(%run_scoped3A : memref<!tpu.dma_semaphore, #tpu.memory_space<semaphore_mem>>)
      %dma_wait3A_31 = tpu.memref_slice %arg3[%add3A_22] : memref<18432xi32, #tpu.memory_space<hbm>> -> memref<192xi32, #tpu.memory_space<hbm>>
      %dma_wait3A_32 = tpu.memref_slice %arg3[%add3A_22] : memref<18432xi32, #tpu.memory_space<hbm>> -> memref<192xi32, #tpu.memory_space<hbm>>
      tpu.wait_dma2 semaphore(%run_scoped3A : memref<!tpu.dma_semaphore, #tpu.memory_space<semaphore_mem>>) src(%dma_wait3A_32 : memref<192xi32, #tpu.memory_space<hbm>>) dst(%arg5 : memref<192xi32, #tpu.memory_space<vmem>>)
      tpu.yield
    }) : () -> ()
    %dma_start3A_23 = arith.constant 0 : i32
    %dma_start3A_24 = arith.constant 0 : i32
    %dma_start3A_25 = tpu.memref_slice %arg2[%dma_start3A_23, %dma_start3A_24] : memref<8192x256xf32, #tpu.memory_space<hbm>> -> memref<8192x256xf32, #tpu.memory_space<hbm>>
    tpu.enqueue_indirect_dma source(%dma_start3A_25 : memref<8192x256xf32, #tpu.memory_space<hbm>>) target(%arg6 : memref<192x256xf32, #tpu.memory_space<vmem>>) offsets(%arg5 : memref<192xi32, #tpu.memory_space<vmem>>) semaphore(%arg7 : memref<!tpu.dma_semaphore, #tpu.memory_space<semaphore_mem>>)
    %dma_wait3A_26 = arith.constant 0 : i32
    %dma_wait3A_27 = arith.constant 0 : i32
    %dma_wait3A_28 = tpu.memref_slice %arg2[%dma_wait3A_26, %dma_wait3A_27] : memref<8192x256xf32, #tpu.memory_space<hbm>> -> memref<8192x256xf32, #tpu.memory_space<hbm>>
    tpu.wait_indirect_dma semaphore(%arg7 : memref<!tpu.dma_semaphore, #tpu.memory_space<semaphore_mem>>) src(%dma_wait3A_28 : memref<8192x256xf32, #tpu.memory_space<hbm>>) dst(%arg6 : memref<192x256xf32, #tpu.memory_space<vmem>>)
    "tpu.region"() ({
      %run_scoped3A = tpu.sem_alloc : memref<!tpu.dma_semaphore, #tpu.memory_space<semaphore_mem>>
      %dma_start3A_29 = arith.constant 0 : i32
      %dma_start3A_30 = tpu.memref_slice %arg4[%add3A_22, %dma_start3A_29] : memref<18432x256xf32, #tpu.memory_space<hbm>> -> memref<192x256xf32, #tpu.memory_space<hbm>>
      %dma_start3A_31 = arith.constant 0 : i32
      %dma_start3A_32 = tpu.memref_slice %arg4[%add3A_22, %dma_start3A_31] : memref<18432x256xf32, #tpu.memory_space<hbm>> -> memref<192x256xf32, #tpu.memory_space<hbm>>
      tpu.enqueue_dma source(%arg6 : memref<192x256xf32, #tpu.memory_space<vmem>>) target(%dma_start3A_32 : memref<192x256xf32, #tpu.memory_space<hbm>>) target_semaphore(%run_scoped3A : memref<!tpu.dma_semaphore, #tpu.memory_space<semaphore_mem>>)
      %dma_wait3A_33 = arith.constant 0 : i32
      %dma_wait3A_34 = tpu.memref_slice %arg4[%add3A_22, %dma_wait3A_33] : memref<18432x256xf32, #tpu.memory_space<hbm>> -> memref<192x256xf32, #tpu.memory_space<hbm>>
      %dma_wait3A_35 = arith.constant 0 : i32
      %dma_wait3A_36 = tpu.memref_slice %arg4[%add3A_22, %dma_wait3A_35] : memref<18432x256xf32, #tpu.memory_space<hbm>> -> memref<192x256xf32, #tpu.memory_space<hbm>>
      tpu.wait_dma2 semaphore(%run_scoped3A : memref<!tpu.dma_semaphore, #tpu.memory_space<semaphore_mem>>) src(%arg6 : memref<192x256xf32, #tpu.memory_space<vmem>>) dst(%dma_wait3A_36 : memref<192x256xf32, #tpu.memory_space<hbm>>)
      tpu.yield
    }) : () -> ()
    return
  }
}

module attributes {stable_mosaic.version = 14 : i64} {
  func.func @_k1_body(%arg0: i32, %arg1: memref<1024x1xf32, #tpu.memory_space<vmem>>, %arg2: memref<1024x256xf32, #tpu.memory_space<vmem>>, %arg3: memref<256x8192xf32, #tpu.memory_space<vmem>>, %arg4: memref<1x8192xf32, #tpu.memory_space<vmem>>, %arg5: memref<1024x1xi32, #tpu.memory_space<vmem>>, %arg6: memref<1x1x1xf32, #tpu.memory_space<vmem>>) attributes {dimension_semantics = [#tpu.dimension_semantics<arbitrary>], iteration_bounds = array<i64: 18>, scalar_prefetch = 0 : i64, scratch_operands = 0 : i64, tpu.core_type = #tpu.core_type<tc>, window_params = [{transform_indices = @transform_0, window_bounds = array<i64: 1024, 1>}, {transform_indices = @transform_1, window_bounds = array<i64: 1024, 256>}, {pipeline_mode = #tpu.pipeline_mode<synchronous>, transform_indices = @transform_2, window_bounds = array<i64: 256, 8192>}, {pipeline_mode = #tpu.pipeline_mode<synchronous>, transform_indices = @transform_3, window_bounds = array<i64: 1, 8192>}, {transform_indices = @transform_4, window_bounds = array<i64: 1024, 1>}, {transform_indices = @transform_5, window_bounds = array<i64: 1, 1, 1>}]} {
    %get3A = arith.constant 0 : index
    %get3A_0 = arith.constant 0 : index
    %get3A_1 = vector.load %arg2[%get3A, %get3A_0] : memref<1024x256xf32, #tpu.memory_space<vmem>>, vector<1024x256xf32>
    %get3A_2 = arith.constant 0 : index
    %get3A_3 = arith.constant 0 : index
    %get3A_4 = vector.load %arg1[%get3A_2, %get3A_3] : memref<1024x1xf32, #tpu.memory_space<vmem>>, vector<1024x1xf32>
    %broadcast_in_dim3A = arith.constant 0x7F800000 : f32
    %broadcast_in_dim3A_5 = vector.broadcast %broadcast_in_dim3A : f32 to vector<1024x1xf32>
    %broadcast_in_dim3A_6 = arith.constant 0x7F800000 : f32
    %broadcast_in_dim3A_7 = vector.broadcast %broadcast_in_dim3A_6 : f32 to vector<1024x1xf32>
    %broadcast_in_dim3A_8 = arith.constant 0 : i32
    %broadcast_in_dim3A_9 = vector.broadcast %broadcast_in_dim3A_8 : i32 to vector<1024x1xi32>
    %iota3A = tpu.iota {dimensions = array<i32: 1>} : vector<1024x2048xi32>
    %get3A_10 = arith.constant 0 : index
    %get3A_11 = arith.constant 0 : index
    %get3A_12 = vector.load %arg3[%get3A_10, %get3A_11] : memref<256x8192xf32, #tpu.memory_space<vmem>>, vector<256x2048xf32>
    %dot_general3A = arith.constant dense<0.000000e+00> : vector<1024x2048xf32>
    %dot_general3A_13 = tpu.matmul %get3A_1, %get3A_12, %dot_general3A {dimension_numbers = #tpu.dot_dimension_numbers<[1], [0], [0], [1], [0, 0, 1, 1], [], []>, transpose_lhs_hint = false} : vector<1024x256xf32>, vector<256x2048xf32>, vector<1024x2048xf32> -> vector<1024x2048xf32>
    %add3A = vector.broadcast %get3A_4 : vector<1024x1xf32> to vector<1024x2048xf32>
    %add3A_14 = arith.addf %add3A, %dot_general3A_13 : vector<1024x2048xf32>
    %get3A_15 = arith.constant 0 : index
    %get3A_16 = arith.constant 0 : index
    %get3A_17 = vector.load %arg4[%get3A_15, %get3A_16] : memref<1x8192xf32, #tpu.memory_space<vmem>>, vector<1x2048xf32>
    %add3A_18 = vector.broadcast %get3A_17 : vector<1x2048xf32> to vector<1024x2048xf32>
    %add3A_19 = arith.addf %add3A_14, %add3A_18 : vector<1024x2048xf32>
    %reduce_min3A = arith.constant dense<0x7F800000> : vector<1024xf32>
    %reduce_min3A_20 = vector.multi_reduction <minimumf>, %add3A_19, %reduce_min3A [1] : vector<1024x2048xf32> to vector<1024xf32>
    %broadcast_in_dim3A_21 = vector.shape_cast %reduce_min3A_20 : vector<1024xf32> to vector<1024x1xf32>
    %eq3A = vector.broadcast %broadcast_in_dim3A_21 : vector<1024x1xf32> to vector<1024x2048xf32>
    %eq3A_22 = arith.cmpf oeq, %add3A_19, %eq3A : vector<1024x2048xf32>
    %jit3A = arith.constant 2048 : i32
    %broadcast_in_dim3A_23 = vector.broadcast %jit3A : i32 to vector<1024x2048xi32>
    %select_n3A = arith.select %eq3A_22, %iota3A, %broadcast_in_dim3A_23 : vector<1024x2048xi1>, vector<1024x2048xi32>
    %reduce_min3A_24 = arith.constant dense<2147483647> : vector<1024xi32>
    %reduce_min3A_25 = vector.multi_reduction <minsi>, %select_n3A, %reduce_min3A_24 [1] : vector<1024x2048xi32> to vector<1024xi32>
    %broadcast_in_dim3A_26 = vector.shape_cast %reduce_min3A_25 : vector<1024xi32> to vector<1024x1xi32>
    %lt3A = arith.cmpf olt, %broadcast_in_dim3A_21, %broadcast_in_dim3A_5 : vector<1024x1xf32>
    %add3A_27 = arith.constant 0 : i32
    %add3A_28 = vector.broadcast %add3A_27 : i32 to vector<1024x1xi32>
    %add3A_29 = arith.addi %broadcast_in_dim3A_26, %add3A_28 : vector<1024x1xi32>
    %select_n3A_30 = arith.select %lt3A, %add3A_29, %broadcast_in_dim3A_9 : vector<1024x1xi1>, vector<1024x1xi32>
    %select_n3A_31 = arith.select %lt3A, %broadcast_in_dim3A_21, %broadcast_in_dim3A_7 : vector<1024x1xi1>, vector<1024x1xf32>
    %convert_element_type3A = arith.truncf %broadcast_in_dim3A_21 : vector<1024x1xf32> to vector<1024x1xbf16>
    %convert_element_type3A_32 = arith.extf %convert_element_type3A : vector<1024x1xbf16> to vector<1024x1xf32>
    %select_n3A_33 = arith.select %lt3A, %convert_element_type3A_32, %broadcast_in_dim3A_5 : vector<1024x1xi1>, vector<1024x1xf32>
    %get3A_34 = arith.constant 0 : index
    %get3A_35 = arith.constant 2048 : index
    %get3A_36 = vector.load %arg3[%get3A_34, %get3A_35] : memref<256x8192xf32, #tpu.memory_space<vmem>>, vector<256x2048xf32>
    %dot_general3A_37 = arith.constant dense<0.000000e+00> : vector<1024x2048xf32>
    %dot_general3A_38 = tpu.matmul %get3A_1, %get3A_36, %dot_general3A_37 {dimension_numbers = #tpu.dot_dimension_numbers<[1], [0], [0], [1], [0, 0, 1, 1], [], []>, transpose_lhs_hint = false} : vector<1024x256xf32>, vector<256x2048xf32>, vector<1024x2048xf32> -> vector<1024x2048xf32>
    %add3A_39 = vector.broadcast %get3A_4 : vector<1024x1xf32> to vector<1024x2048xf32>
    %add3A_40 = arith.addf %add3A_39, %dot_general3A_38 : vector<1024x2048xf32>
    %get3A_41 = arith.constant 0 : index
    %get3A_42 = arith.constant 2048 : index
    %get3A_43 = vector.load %arg4[%get3A_41, %get3A_42] : memref<1x8192xf32, #tpu.memory_space<vmem>>, vector<1x2048xf32>
    %add3A_44 = vector.broadcast %get3A_43 : vector<1x2048xf32> to vector<1024x2048xf32>
    %add3A_45 = arith.addf %add3A_40, %add3A_44 : vector<1024x2048xf32>
    %reduce_min3A_46 = arith.constant dense<0x7F800000> : vector<1024xf32>
    %reduce_min3A_47 = vector.multi_reduction <minimumf>, %add3A_45, %reduce_min3A_46 [1] : vector<1024x2048xf32> to vector<1024xf32>
    %broadcast_in_dim3A_48 = vector.shape_cast %reduce_min3A_47 : vector<1024xf32> to vector<1024x1xf32>
    %eq3A_49 = vector.broadcast %broadcast_in_dim3A_48 : vector<1024x1xf32> to vector<1024x2048xf32>
    %eq3A_50 = arith.cmpf oeq, %add3A_45, %eq3A_49 : vector<1024x2048xf32>
    %jit3A_51 = arith.constant 2048 : i32
    %broadcast_in_dim3A_52 = vector.broadcast %jit3A_51 : i32 to vector<1024x2048xi32>
    %select_n3A_53 = arith.select %eq3A_50, %iota3A, %broadcast_in_dim3A_52 : vector<1024x2048xi1>, vector<1024x2048xi32>
    %reduce_min3A_54 = arith.constant dense<2147483647> : vector<1024xi32>
    %reduce_min3A_55 = vector.multi_reduction <minsi>, %select_n3A_53, %reduce_min3A_54 [1] : vector<1024x2048xi32> to vector<1024xi32>
    %broadcast_in_dim3A_56 = vector.shape_cast %reduce_min3A_55 : vector<1024xi32> to vector<1024x1xi32>
    %lt3A_57 = arith.cmpf olt, %broadcast_in_dim3A_48, %select_n3A_33 : vector<1024x1xf32>
    %add3A_58 = arith.constant 2048 : i32
    %add3A_59 = vector.broadcast %add3A_58 : i32 to vector<1024x1xi32>
    %add3A_60 = arith.addi %broadcast_in_dim3A_56, %add3A_59 : vector<1024x1xi32>
    %select_n3A_61 = arith.select %lt3A_57, %add3A_60, %select_n3A_30 : vector<1024x1xi1>, vector<1024x1xi32>
    %select_n3A_62 = arith.select %lt3A_57, %broadcast_in_dim3A_48, %select_n3A_31 : vector<1024x1xi1>, vector<1024x1xf32>
    %convert_element_type3A_63 = arith.truncf %broadcast_in_dim3A_48 : vector<1024x1xf32> to vector<1024x1xbf16>
    %convert_element_type3A_64 = arith.extf %convert_element_type3A_63 : vector<1024x1xbf16> to vector<1024x1xf32>
    %select_n3A_65 = arith.select %lt3A_57, %convert_element_type3A_64, %select_n3A_33 : vector<1024x1xi1>, vector<1024x1xf32>
    %get3A_66 = arith.constant 0 : index
    %get3A_67 = arith.constant 4096 : index
    %get3A_68 = vector.load %arg3[%get3A_66, %get3A_67] : memref<256x8192xf32, #tpu.memory_space<vmem>>, vector<256x2048xf32>
    %dot_general3A_69 = arith.constant dense<0.000000e+00> : vector<1024x2048xf32>
    %dot_general3A_70 = tpu.matmul %get3A_1, %get3A_68, %dot_general3A_69 {dimension_numbers = #tpu.dot_dimension_numbers<[1], [0], [0], [1], [0, 0, 1, 1], [], []>, transpose_lhs_hint = false} : vector<1024x256xf32>, vector<256x2048xf32>, vector<1024x2048xf32> -> vector<1024x2048xf32>
    %add3A_71 = vector.broadcast %get3A_4 : vector<1024x1xf32> to vector<1024x2048xf32>
    %add3A_72 = arith.addf %add3A_71, %dot_general3A_70 : vector<1024x2048xf32>
    %get3A_73 = arith.constant 0 : index
    %get3A_74 = arith.constant 4096 : index
    %get3A_75 = vector.load %arg4[%get3A_73, %get3A_74] : memref<1x8192xf32, #tpu.memory_space<vmem>>, vector<1x2048xf32>
    %add3A_76 = vector.broadcast %get3A_75 : vector<1x2048xf32> to vector<1024x2048xf32>
    %add3A_77 = arith.addf %add3A_72, %add3A_76 : vector<1024x2048xf32>
    %reduce_min3A_78 = arith.constant dense<0x7F800000> : vector<1024xf32>
    %reduce_min3A_79 = vector.multi_reduction <minimumf>, %add3A_77, %reduce_min3A_78 [1] : vector<1024x2048xf32> to vector<1024xf32>
    %broadcast_in_dim3A_80 = vector.shape_cast %reduce_min3A_79 : vector<1024xf32> to vector<1024x1xf32>
    %eq3A_81 = vector.broadcast %broadcast_in_dim3A_80 : vector<1024x1xf32> to vector<1024x2048xf32>
    %eq3A_82 = arith.cmpf oeq, %add3A_77, %eq3A_81 : vector<1024x2048xf32>
    %jit3A_83 = arith.constant 2048 : i32
    %broadcast_in_dim3A_84 = vector.broadcast %jit3A_83 : i32 to vector<1024x2048xi32>
    %select_n3A_85 = arith.select %eq3A_82, %iota3A, %broadcast_in_dim3A_84 : vector<1024x2048xi1>, vector<1024x2048xi32>
    %reduce_min3A_86 = arith.constant dense<2147483647> : vector<1024xi32>
    %reduce_min3A_87 = vector.multi_reduction <minsi>, %select_n3A_85, %reduce_min3A_86 [1] : vector<1024x2048xi32> to vector<1024xi32>
    %broadcast_in_dim3A_88 = vector.shape_cast %reduce_min3A_87 : vector<1024xi32> to vector<1024x1xi32>
    %lt3A_89 = arith.cmpf olt, %broadcast_in_dim3A_80, %select_n3A_65 : vector<1024x1xf32>
    %add3A_90 = arith.constant 4096 : i32
    %add3A_91 = vector.broadcast %add3A_90 : i32 to vector<1024x1xi32>
    %add3A_92 = arith.addi %broadcast_in_dim3A_88, %add3A_91 : vector<1024x1xi32>
    %select_n3A_93 = arith.select %lt3A_89, %add3A_92, %select_n3A_61 : vector<1024x1xi1>, vector<1024x1xi32>
    %select_n3A_94 = arith.select %lt3A_89, %broadcast_in_dim3A_80, %select_n3A_62 : vector<1024x1xi1>, vector<1024x1xf32>
    %convert_element_type3A_95 = arith.truncf %broadcast_in_dim3A_80 : vector<1024x1xf32> to vector<1024x1xbf16>
    %convert_element_type3A_96 = arith.extf %convert_element_type3A_95 : vector<1024x1xbf16> to vector<1024x1xf32>
    %select_n3A_97 = arith.select %lt3A_89, %convert_element_type3A_96, %select_n3A_65 : vector<1024x1xi1>, vector<1024x1xf32>
    %get3A_98 = arith.constant 0 : index
    %get3A_99 = arith.constant 6144 : index
    %get3A_100 = vector.load %arg3[%get3A_98, %get3A_99] : memref<256x8192xf32, #tpu.memory_space<vmem>>, vector<256x2048xf32>
    %dot_general3A_101 = arith.constant dense<0.000000e+00> : vector<1024x2048xf32>
    %dot_general3A_102 = tpu.matmul %get3A_1, %get3A_100, %dot_general3A_101 {dimension_numbers = #tpu.dot_dimension_numbers<[1], [0], [0], [1], [0, 0, 1, 1], [], []>, transpose_lhs_hint = false} : vector<1024x256xf32>, vector<256x2048xf32>, vector<1024x2048xf32> -> vector<1024x2048xf32>
    %add3A_103 = vector.broadcast %get3A_4 : vector<1024x1xf32> to vector<1024x2048xf32>
    %add3A_104 = arith.addf %add3A_103, %dot_general3A_102 : vector<1024x2048xf32>
    %get3A_105 = arith.constant 0 : index
    %get3A_106 = arith.constant 6144 : index
    %get3A_107 = vector.load %arg4[%get3A_105, %get3A_106] : memref<1x8192xf32, #tpu.memory_space<vmem>>, vector<1x2048xf32>
    %add3A_108 = vector.broadcast %get3A_107 : vector<1x2048xf32> to vector<1024x2048xf32>
    %add3A_109 = arith.addf %add3A_104, %add3A_108 : vector<1024x2048xf32>
    %reduce_min3A_110 = arith.constant dense<0x7F800000> : vector<1024xf32>
    %reduce_min3A_111 = vector.multi_reduction <minimumf>, %add3A_109, %reduce_min3A_110 [1] : vector<1024x2048xf32> to vector<1024xf32>
    %broadcast_in_dim3A_112 = vector.shape_cast %reduce_min3A_111 : vector<1024xf32> to vector<1024x1xf32>
    %eq3A_113 = vector.broadcast %broadcast_in_dim3A_112 : vector<1024x1xf32> to vector<1024x2048xf32>
    %eq3A_114 = arith.cmpf oeq, %add3A_109, %eq3A_113 : vector<1024x2048xf32>
    %jit3A_115 = arith.constant 2048 : i32
    %broadcast_in_dim3A_116 = vector.broadcast %jit3A_115 : i32 to vector<1024x2048xi32>
    %select_n3A_117 = arith.select %eq3A_114, %iota3A, %broadcast_in_dim3A_116 : vector<1024x2048xi1>, vector<1024x2048xi32>
    %reduce_min3A_118 = arith.constant dense<2147483647> : vector<1024xi32>
    %reduce_min3A_119 = vector.multi_reduction <minsi>, %select_n3A_117, %reduce_min3A_118 [1] : vector<1024x2048xi32> to vector<1024xi32>
    %broadcast_in_dim3A_120 = vector.shape_cast %reduce_min3A_119 : vector<1024xi32> to vector<1024x1xi32>
    %lt3A_121 = arith.cmpf olt, %broadcast_in_dim3A_112, %select_n3A_97 : vector<1024x1xf32>
    %add3A_122 = arith.constant 6144 : i32
    %add3A_123 = vector.broadcast %add3A_122 : i32 to vector<1024x1xi32>
    %add3A_124 = arith.addi %broadcast_in_dim3A_120, %add3A_123 : vector<1024x1xi32>
    %select_n3A_125 = arith.select %lt3A_121, %add3A_124, %select_n3A_93 : vector<1024x1xi1>, vector<1024x1xi32>
    %select_n3A_126 = arith.select %lt3A_121, %broadcast_in_dim3A_112, %select_n3A_94 : vector<1024x1xi1>, vector<1024x1xf32>
    %swap3A = arith.constant 0 : index
    %swap3A_127 = arith.constant 0 : index
    %swap3A_128 = vector.load %arg5[%swap3A, %swap3A_127] : memref<1024x1xi32, #tpu.memory_space<vmem>>, vector<1024x1xi32>
    tpu.vector_store %arg5[%swap3A, %swap3A_127], %select_n3A_125 {strides = array<i32>} : memref<1024x1xi32, #tpu.memory_space<vmem>>, vector<1024x1xi32>,
    %reduce_sum3A = vector.shape_cast %select_n3A_126 : vector<1024x1xf32> to vector<1x1024x1xf32>
    %reduce_sum3A_129 = arith.constant dense<0.000000e+00> : vector<1xf32>
    %reduce_sum3A_130 = vector.multi_reduction <add>, %reduce_sum3A, %reduce_sum3A_129 [1, 2] : vector<1x1024x1xf32> to vector<1xf32>
    %reduce_sum3A_131 = vector.shape_cast %reduce_sum3A_130 : vector<1xf32> to vector<1x1x1xf32>
    %reduce_sum3A_132 = vector.extract %reduce_sum3A_131[0, 0, 0] : f32 from vector<1x1x1xf32>
    %reshape3A = vector.broadcast %reduce_sum3A_132 : f32 to vector<1x1x1xf32>
    %swap3A_133 = arith.constant 0 : index
    %swap3A_134 = arith.constant 0 : index
    %swap3A_135 = arith.constant 0 : index
    %swap3A_136 = vector.load %arg6[%swap3A_133, %swap3A_134, %swap3A_135] : memref<1x1x1xf32, #tpu.memory_space<vmem>>, vector<1x1x1xf32>
    tpu.vector_store %arg6[%swap3A_133, %swap3A_134, %swap3A_135], %reshape3A {strides = array<i32>} : memref<1x1x1xf32, #tpu.memory_space<vmem>>, vector<1x1x1xf32>,
    return
  }
  func.func @transform_0(%arg0: i32) -> (i32, i32) {
    %c0_i32 = arith.constant 0 : i32
    %c0_i32_0 = arith.constant 0 : i32
    return %arg0, %c0_i32 : i32, i32
  }
  func.func @transform_1(%arg0: i32) -> (i32, i32) {
    %c0_i32 = arith.constant 0 : i32
    %c0_i32_0 = arith.constant 0 : i32
    return %arg0, %c0_i32 : i32, i32
  }
  func.func @transform_2(%arg0: i32) -> (i32, i32) {
    %c0_i32 = arith.constant 0 : i32
    %c0_i32_0 = arith.constant 0 : i32
    %c0_i32_1 = arith.constant 0 : i32
    return %c0_i32, %c0_i32_0 : i32, i32
  }
  func.func @transform_3(%arg0: i32) -> (i32, i32) {
    %c0_i32 = arith.constant 0 : i32
    %c0_i32_0 = arith.constant 0 : i32
    %c0_i32_1 = arith.constant 0 : i32
    return %c0_i32, %c0_i32_0 : i32, i32
  }
  func.func @transform_4(%arg0: i32) -> (i32, i32) {
    %c0_i32 = arith.constant 0 : i32
    %c0_i32_0 = arith.constant 0 : i32
    return %arg0, %c0_i32 : i32, i32
  }
  func.func @transform_5(%arg0: i32) -> (i32, i32, i32) {
    %c0_i32 = arith.constant 0 : i32
    %c0_i32_0 = arith.constant 0 : i32
    %c0_i32_1 = arith.constant 0 : i32
    return %arg0, %c0_i32, %c0_i32_0 : i32, i32, i32
  }
}

module attributes {stable_mosaic.version = 14 : i64} {
  func.func @_k2_body(%arg0: i32, %arg1: memref<256x2048xf32, #tpu.memory_space<vmem>>, %arg2: memref<2048x256xf32, #tpu.memory_space<vmem>>, %arg3: memref<1x2048xf32, #tpu.memory_space<vmem>>, %arg4: memref<256x2048xf32, #tpu.memory_space<vmem>>) attributes {dimension_semantics = [#tpu.dimension_semantics<arbitrary>], iteration_bounds = array<i64: 4>, scalar_prefetch = 0 : i64, scratch_operands = 0 : i64, tpu.core_type = #tpu.core_type<tc>, window_params = [{transform_indices = @transform_0, window_bounds = array<i64: 256, 2048>}, {transform_indices = @transform_1, window_bounds = array<i64: 2048, 256>}, {transform_indices = @transform_2, window_bounds = array<i64: 1, 2048>}, {transform_indices = @transform_3, window_bounds = array<i64: 256, 2048>}]} {
    %get3A = arith.constant 0 : index
    %get3A_0 = arith.constant 0 : index
    %get3A_1 = vector.load %arg1[%get3A, %get3A_0] : memref<256x2048xf32, #tpu.memory_space<vmem>>, vector<256x2048xf32>
    %transpose3A = tpu.transpose %get3A_1, [1, 0] : vector<256x2048xf32> -> vector<2048x256xf32>
    %swap3A = arith.constant 0 : index
    %swap3A_2 = arith.constant 0 : index
    %swap3A_3 = vector.load %arg2[%swap3A, %swap3A_2] : memref<2048x256xf32, #tpu.memory_space<vmem>>, vector<2048x256xf32>
    tpu.vector_store %arg2[%swap3A, %swap3A_2], %transpose3A {strides = array<i32>} : memref<2048x256xf32, #tpu.memory_space<vmem>>, vector<2048x256xf32>,
    %integer_pow3A = arith.mulf %get3A_1, %get3A_1 : vector<256x2048xf32>
    %reduce_sum3A = arith.constant dense<0.000000e+00> : vector<2048xf32>
    %reduce_sum3A_4 = vector.multi_reduction <add>, %integer_pow3A, %reduce_sum3A [0] : vector<256x2048xf32> to vector<2048xf32>
    %broadcast_in_dim3A = vector.shape_cast %reduce_sum3A_4 : vector<2048xf32> to vector<1x2048xf32>
    %swap3A_5 = arith.constant 0 : index
    %swap3A_6 = arith.constant 0 : index
    %swap3A_7 = vector.load %arg3[%swap3A_5, %swap3A_6] : memref<1x2048xf32, #tpu.memory_space<vmem>>, vector<1x2048xf32>
    tpu.vector_store %arg3[%swap3A_5, %swap3A_6], %broadcast_in_dim3A {strides = array<i32>} : memref<1x2048xf32, #tpu.memory_space<vmem>>, vector<1x2048xf32>,
    %mul3A = arith.constant -2.000000e+00 : f32
    %mul3A_8 = vector.broadcast %mul3A : f32 to vector<256x2048xf32>
    %mul3A_9 = arith.mulf %get3A_1, %mul3A_8 : vector<256x2048xf32>
    %swap3A_10 = arith.constant 0 : index
    %swap3A_11 = arith.constant 0 : index
    %swap3A_12 = vector.load %arg4[%swap3A_10, %swap3A_11] : memref<256x2048xf32, #tpu.memory_space<vmem>>, vector<256x2048xf32>
    tpu.vector_store %arg4[%swap3A_10, %swap3A_11], %mul3A_9 {strides = array<i32>} : memref<256x2048xf32, #tpu.memory_space<vmem>>, vector<256x2048xf32>,
    return
  }
  func.func @transform_0(%arg0: i32) -> (i32, i32) {
    %c0_i32 = arith.constant 0 : i32
    %c0_i32_0 = arith.constant 0 : i32
    return %c0_i32, %arg0 : i32, i32
  }
  func.func @transform_1(%arg0: i32) -> (i32, i32) {
    %c0_i32 = arith.constant 0 : i32
    %c0_i32_0 = arith.constant 0 : i32
    return %arg0, %c0_i32 : i32, i32
  }
  func.func @transform_2(%arg0: i32) -> (i32, i32) {
    %c0_i32 = arith.constant 0 : i32
    %c0_i32_0 = arith.constant 0 : i32
    return %c0_i32, %arg0 : i32, i32
  }
  func.func @transform_3(%arg0: i32) -> (i32, i32) {
    %c0_i32 = arith.constant 0 : i32
    %c0_i32_0 = arith.constant 0 : i32
    return %c0_i32, %arg0 : i32, i32
  }
}

</mosaic_0001>

<sc_bundles>
// kernel: kernel.5.cloned.1.call-start
scs
__scs_entry_jumppad:
0x0: {  	(pc) =	sbr.rel $0x88, $3  }
0x1: {  	(tag) =	ssettag $0x0;
	lr =	simm.s32 $0x1  }
0x2: {  	[smem:$0x3F9F] =	sst lr;
	_ =	strace $0xD0000000  }
0x3: {  	_ = 	snop  }
0x4: {  	_ = 	snop  }
0x5: {  	_ = 	snop  }
0x6: {  	_ = 	snop  }
0x7: {  	_ = 	snop  }
__scs_overlays_trampoline_lowered:
0x8: {  	[smem:$0x3FAE] =	sst s0  }
0x9: {  	[smem:$0x3FAF] =	sst s1  }
0xa: {  	[smem:$0x3FB0] =	sst s2  }
0xb: {  	[smem:$0x3FB1] =	sst s3  }
0xc: {  	[smem:$0x3FB2] =	sst s4  }
0xd: {  	[smem:$0x3FB3] =	sst s5  }
0xe: {  	[smem:$0x3FB4] =	sst s6  }
0xf: {  	[smem:$0x3FB5] =	sst s7  }
0x10: {  	[smem:$0x3FB6] =	sst s8  }
0x11: {  	[smem:$0x3FB7] =	sst s9;
	s0 =	simm.s32 @!p0 $0x0  }
0x12: {  	s1 =	sld [smem:$0x3F9D];
	s0 =	simm.s32 @p0 $0x1  }
0x13: {  	[smem:$0x3FB8] =	sst s0;
	s0 =	simm.s32 @!p1 $0x0  }
0x14: {  	s2 =	sld [smem:$0x3F9C];
	s0 =	simm.s32 @p1 $0x1  }
0x15: {  	[smem:$0x3FB9] =	sst s0;
	s0 =	simm.s32 @!p2 $0x0  }
0x16: {  	s3 =	sld [smem:$0x3FDB];
	s0 =	simm.s32 @p2 $0x1  }
0x17: {  	s4 =	simm.s32 $0x1BF5;
	[smem:$0x3FBB] =	sst s0  }
0x18: {  	s0 =	sld [smem:$0x3F9E];
	_ =	swait.ge [sflag:s4], $0x0  }
0x19: {  	s7 =	sld [smem:$0x3F9F]  }
0x1a: {  	s8 =	sadd.s32 $0xFFFFE003, lr  }
0x1b: {  	s9 =	sadd.s32 $0xFFFFFEF7, lr;
	s5 =	simm.s32 $0xFFFFFFFF;
	p2 =	slt.u32 s8, $0xFFFFF086  }
0x1c: {  	p1 =	slt.u32 s9, $0xF7A;
	s5 =	simm.s32 @!p2 $0x0  }
0x1d: {  	s5 =	simm.s32 @p1 $0x1;
	p0 =	seq.s32 s7, s2  }
0x1e: {  	s7 =	smul.u32 @!p0 $0xF7A, s2;
	p2 =	seq.s32 @!p0 s5, $0x0  }
0x1f: {  	s9 =	smul.u32 $0xF7A, s1;
	s8 =	simm.s32 @!p0 $0x1BF5;
	p2 =	por !p2, p0  }
0x20: {  	[sflag:s8] =	ssyncset.s32 @!p0 $0xFFFFF086;
	s6 =	sadd.s32 @!p0 s3, s7;
	s7 =	simm.s32 @!p0 $0x108  }
0x21: {  	s3 =	sadd.s32 s3, s9;
	s6 =	sadd.s32 @!p0 $0x88, s6;
	s7 =	simm.s32 @p2 $0x1082  }
0x22: {  	[simem:s7], [sflag:s8] =	dma.local @!p0 [hbm:s6], $0xF7A  }
0x23: {  	s9 =	sor.u32 $0xD0000000, s2;
	s6 =	simm.s32 $0x108;
	_ =	swait.ge @!p0 [sflag:s8], $0x0  }
0x24: {  	s3 =	sadd.s32 $0x88, s3;
	s6 =	simm.s32 @!p1 $0x1082;
	[sflag:s4] =	ssyncset.s32 $0xFFFFF086  }
0x25: {  	[simem:s6], [sflag:s4] =	dma.local [hbm:s3], $0xF7A  }
0x26: {  	[smem:$0x3F9F] =	sst s1;
	(tag) =	ssettag s2;
	_ =	strace s9  }
0x27: {  	s1 =	sld [smem:$0x3FAF]  }
0x28: {  	s2 =	sld [smem:$0x3FB0]  }
0x29: {  	s4 =	sld [smem:$0x3FB2]  }
0x2a: {  	p0 =	seq.s32 s5, $0x0;
	s5 =	sld [smem:$0x3FB3]  }
0x2b: {  	s6 =	sld [smem:$0x3FB4]  }
0x2c: {  	s7 =	sld [smem:$0x3FB5]  }
0x2d: {  	s3 =	simm.s32 $0x108;
	s8 =	sld [smem:$0x3FB6]  }
0x2e: {  	s3 =	simm.s32 @!p0 $0x1082;
	s9 =	sld [smem:$0x3FB7]  }
0x2f: {  	lr =	sadd.s32 s0, s3;
	s0 =	sld [smem:$0x3FAE]  }
0x30: {  	s3 =	sld [smem:$0x3FB1]  }
0x31: {  	[smem:$0x3FBA] =	sst s10  }
0x32: {  	s10 =	sld [smem:$0x3FB8];
	_ =	sdelay $0x3  }
0x33: {  	p0 =	seq.s32 s10, $0x1;
	s10 =	sld [smem:$0x3FBA];
	_ =	sdelay $0x3  }
0x34: {  	[smem:$0x3FBA] =	sst s10  }
0x35: {  	s10 =	sld [smem:$0x3FB9];
	_ =	sdelay $0x3  }
0x36: {  	p1 =	seq.s32 s10, $0x1;
	s10 =	sld [smem:$0x3FBA];
	_ =	sdelay $0x3  }
0x37: {  	[smem:$0x3FBA] =	sst s10  }
0x38: {  	s10 =	sld [smem:$0x3FBB]  }
0x39: {  	_ = 	snop;
	(pc) =	sbr.ind lr, $3  }
0x3a: {  	_ = 	snop  }
0x3b: {  	_ = 	snop  }
0x3c: {  	p2 =	seq.s32 s10, $0x1;
	s10 =	sld [smem:$0x3FBA]  }
0x3d: {  	_ =	shalt  }
0x3e: {  	_ =	shalt  }
0x3f: {  	_ =	shalt  }
0x40: {  	_ =	shalt  }
0x41: {  	_ =	shalt  }
0x42: {  	_ =	shalt  }
0x43: {  	_ =	shalt  }
0x44: {  	_ =	shalt  }
0x45: {  	_ =	shalt  }
0x46: {  	_ =	shalt  }
0x47: {  	_ =	shalt  }
0x48: {  	_ =	shalt  }
0x49: {  	_ =	shalt  }
0x4a: {  	_ =	shalt  }
0x4b: {  	_ =	shalt  }
0x4c: {  	_ =	shalt  }
0x4d: {  	_ =	shalt  }
0x4e: {  	_ =	shalt  }
0x4f: {  	_ =	shalt  }
0x50: {  	_ =	shalt  }
0x51: {  	_ =	shalt  }
0x52: {  	_ =	shalt  }
0x53: {  	_ =	shalt  }
0x54: {  	_ =	shalt  }
0x55: {  	_ =	shalt  }
0x56: {  	_ =	shalt  }
0x57: {  	_ =	shalt  }
0x58: {  	_ =	shalt  }
0x59: {  	_ =	shalt  }
0x5a: {  	_ =	shalt  }
0x5b: {  	_ =	shalt  }
0x5c: {  	_ =	shalt  }
0x5d: {  	_ =	shalt  }
0x5e: {  	_ =	shalt  }
0x5f: {  	_ =	shalt  }
0x60: {  	_ =	shalt  }
0x61: {  	_ =	shalt  }
0x62: {  	_ =	shalt  }
0x63: {  	_ =	shalt  }
0x64: {  	_ =	shalt  }
0x65: {  	_ =	shalt  }
0x66: {  	_ =	shalt  }
0x67: {  	_ =	shalt  }
0x68: {  	_ =	shalt  }
0x69: {  	_ =	shalt  }
0x6a: {  	_ =	shalt  }
0x6b: {  	_ =	shalt  }
0x6c: {  	_ =	shalt  }
0x6d: {  	_ =	shalt  }
0x6e: {  	_ =	shalt  }
0x6f: {  	_ =	shalt  }
0x70: {  	_ =	shalt  }
0x71: {  	_ =	shalt  }
0x72: {  	_ =	shalt  }
0x73: {  	_ =	shalt  }
0x74: {  	_ =	shalt  }
0x75: {  	_ =	shalt  }
0x76: {  	_ =	shalt  }
0x77: {  	_ =	shalt  }
0x78: {  	_ =	shalt  }
0x79: {  	_ =	shalt  }
0x7a: {  	_ =	shalt  }
0x7b: {  	_ =	shalt  }
0x7c: {  	_ =	shalt  }
0x7d: {  	_ =	shalt  }
0x7e: {  	_ =	shalt  }
0x7f: {  	_ =	shalt  }
0x80: {  	_ =	shalt  }
0x81: {  	_ =	shalt  }
0x82: {  	_ =	shalt  }
0x83: {  	_ =	shalt  }
0x84: {  	_ =	shalt  }
0x85: {  	_ =	shalt  }
0x86: {  	_ =	shalt  }
0x87: {  	_ =	shalt  }
.Lfunc_end0:
.L_simem_size_0:
called_computation_lowered:
.L_overlay_start_0:
0x88: {  	s2 =	sld [smem:$0x3FD9]  }
0x89: {  	s3 =	sld [smem:$0x3FFE];
	_ =	sdelay $0x1  }
0x8a: {  	s1 =	srdreg.scid  }
0x8b: {  	s0 =	sand.u32 $0x1, s1  }
0x8c: {  	s14 =	sshll.u32 s0, $0xA;
	s2 =	sadd.s32 s3, s2  }
0x8d: {  	s2 =	sadd.s32 s2, s14  }
0x8e: {  	[smem:$0x3FC6] =	sst s2  }
0x8f: {  	_ = 	snop  }
0x90: {  	s2 =	sld [smem:$0x3FD0];
	_ =	sdelay $0x2  }
0x91: {  	s15 =	simm.s32 $0xA;
	s4 =	simm.s32 $0x10  }
0x92: {  	[smem:s4], [sflag:s15] =	dma.local [hbm:s2], $0x1  }
0x93: {  	_ =	swait.eq [sflag:s15], $0x1  }
0x94: {  	[sflag:s15] =	ssyncset.done $0x0  }
0x95: {  	[sflag:s15] =	ssyncadd.s32 $0xFFFFFFFF  }
0x96: {  	s16 =	sld [smem:$0x10];
	(tm) =	ssettm $0x1  }
0x97: {  	s17 =	sld [smem:$0x3FFB];
	_ =	sdelay $0x3  }
0x98: {  	_ =	strace s17  }
0x99: {  	s3 =	sld [smem:$0x3FFC];
	_ =	sdelay $0x3  }
0x9a: {  	_ =	strace s3  }
0x9b: {  	s3 =	sld [smem:$0x3FFD];
	_ =	sdelay $0x3  }
0x9c: {  	_ =	strace s3  }
0x9d: {  	_ =	strace $0x8FFFFFFF  }
0x9e: {  	s18 =	sld [smem:$0x3FDB];
	_ =	sdelay $0x1  }
0x9f: {  	s19 =	simm.s32 $_scs_section_size  }
0xa0: {  	s5 =	simm.s32 $_size__tile_overlayer_lowered;
	s6 =	simm.s32 $_tile_overlayer_lowered  }
0xa1: {  	s22 =	simm.s32 $0x1BFF;
	s21 =	sshll.u32 s6, $0x1;
	s3 =	sadd.s32 s19, s18  }
0xa2: {  	s7 =	simm.s32 $0x0;
	s20 =	sshll.u32 s5, $0x1;
	s5 =	sadd.s32 s21, s3  }
0xa3: {  	[timem:s7], [sflag:s22] =	dma.local [hbm:s5], s20  }
0xa4: {  	_ =	swait.ge [sflag:s22], s20  }
0xa5: {  	s4 =	ssub.s32 $0x0, s20;
	[sflag:s22] =	ssyncset.done $0x0  }
0xa6: {  	[sflag:s22] =	ssyncadd.s32 s4;
	_ =	sdelay $0x1  }
0xa7: {  	s23 =	simm.s32 $0x1B8B  }
0xa8: {  	_ =	swait.ge [sflag:s23], $0x1  }
0xa9: {  	[sflag:s23] =	ssyncset.done $0x0  }
0xaa: {  	s25 =	simm.s32 $0x1B8E;
	s24 =	sld [smem:$0x3FFE];
	[sflag:s23] =	ssyncadd.s32 $0xFFFFFFFF  }
0xab: {  	s26 =	simm.s32 $execute0_lowered;
	[smem:$0x3FD2] =	sst s25  }
0xac: {  	s5 =	sshll.u32 s26, $0x1;
	_ =	strace $0x80000046;
	[dreg:$0x1] =	wrdreg $0xFFFFFFFF  }
0xad: {  	s28 =	simm.s32 $_size_execute0_lowered;
	s3 =	sadd.s32 s3, s5;
	[dreg:$0x0] =	wrdreg $0x0  }
0xae: {  	s5 =	sshll.u32 s28, $0x1;
	[dreg:$0x2] =	wrdreg s3  }
0xaf: {  	[dreg:$0x3] =	wrdreg s5  }
0xb0: {  	[dreg:$0x4] =	wrdreg $0xC0  }
0xb1: {  	_ =	task [dreg:s7], $0x5FFFF  }
0xb2: {  	[dreg:$0x1] =	wrdreg $0xFFFFFFFF  }
0xb3: {  	[dreg:$0x0] =	wrdreg $0x60  }
0xb4: {  	[dreg:$0x2] =	wrdreg s24  }
0xb5: {  	[dreg:$0x3] =	wrdreg s16  }
0xb6: {  	[dreg:$0x4] =	wrdreg $0x9  }
0xb7: {  	_ =	task.clear_ibuf [dreg:s7], $0x5FFFF;
	_ =	strace $0x90000046  }
0xb8: {  	s29 =	simm.s32 $0x9;
	_ =	strace $0x80000048  }
0xb9: {  	_ =	swait.ge [sflag:s29], $0x1  }
0xba: {  	[sflag:s29] =	ssyncadd.s32 $0xFFFFFFFF  }
0xbb: {  	_ =	strace $0x90000048  }
0xbc: {  	_ =	sfence  }
0xbd: {  	s30 =	sld [smem:$0x0];
	_ =	sdelay $0x2  }
0xbe: {  	s31 =	sshll.u32 s1, $0xD;
	s1 =	sshrl.u32 s1, $0x2  }
0xbf: {  	s3 =	sand.u32 $0x4000, s31;
	s1 =	sadd.s32 s1, s30  }
0xc0: {  	s0 =	sor.u32 s3, s0;
	s1 =	sshll.u32 s1, $0x11  }
0xc1: {  	s0 =	sor.u32 s1, s0  }
0xc2: {  	s0 =	sadd.s32 $0x8F2B, s0  }
0xc3: {  	[sflag:s0] =	ssyncadd.remote.s32 $0x1  }
0xc4: {  	_ =	sfence.sel $0xFFFF  }
0xc5: {  	[dreg:$0x0] =	wrdreg $0xFFFFFFFF;
	(pc) =	sbr.abs _section_cstart, $3  }
0xc6: {  	[dreg:$0x1] =	wrdreg $0xFFFFFFFF  }
0xc7: {  	_ =	task.clear_ibuf [dreg:s7], $0x2FFFF;
	_ =	strace $0x9FFFFFFF  }
0xc8: {  	(tm) =	ssettm $0x7FFFFFFF  }
0xc9: {  	_ =	shalt  }
tec
execute0_lowered:
.L_overlay_start_1:
0x0: {  	(tag) =	ssettag $0x1  }
0x1: {  	s1 =	srdreg.scid;
	s2 =	rddreg [dreg:$0x0]  }
0x2: {  	s0 =	stileid.u32;
	s4 =	rddreg [dreg:$0x1]  }
0x3: {  	s10 =	simm.s32 $0x1900;
	s11 =	simm.s32 $0x2100;
	s12 =	simm.s32 $0x2900  }
0x4: {  	s13 =	simm.s32 $0x3100;
	s14 =	simm.s32 $0x3900;
	s15 =	simm.s32 $0x4100  }
0x5: {  	s16 =	simm.s32 $0x4900;
	s17 =	simm.s32 $0x5100;
	s18 =	simm.s32 $0x5900  }
0x6: {  	s19 =	simm.s32 $0x6100;
	s20 =	simm.s32 $0x6900;
	s21 =	simm.s32 $0x7100  }
0x7: {  	s28 =	simm.s32 $0xA100;
	s29 =	simm.s32 $0xA900;
	s30 =	simm.s32 $0xB100  }
0x8: {  	s31 =	simm.s32 $0xB900;
	s1 =	sand.u32 $0x1, s1;
	s3 =	sshll.u32 s0, $0x1  }
0x9: {  	s7 =	sadd.s32 $0x40000, s2;
	s5 =	sor.u32 s1, s3;
	s3 =	simm.s32 $0x0  }
0xa: {  	s1 =	ssub.s32 $0x2, s1;
	s6 =	smul.u32 $0x240, s5;
	[smem:$0x7FF] =	sst s3  }
0xb: {  	s5 =	smul.u32 $0x4800, s5;
	s9 =	sshrl.u32 s1, $0x1;
	_ =	strace $0x80000047  }
0xc: {  	s1 =	ssub.s32 s1, s9;
	s9 =	simm.s32 $0x1100;
	s8 =	sshrl.u32 s6, $0x3  }
0xd: {  	s5 =	sadd.s32 s4, s5;
	s22 =	sadd.s32 $0xC0, s6;
	s6 =	sadd.s32 $0x180, s6  }
0xe: {  	s8 =	sadd.s32 s7, s8;
	[dreg:$0x4] =	wrdreg s5;
	s23 =	sshrl.u32 s22, $0x3  }
0xf: {  	s25 =	sshrl.u32 s6, $0x3;
	s6 =	sshll.u32 s6, $0x5;
	[dreg:$0x3] =	wrdreg s8  }
0x10: {  	s5 =	sadd.s32 s7, s23;
	s8 =	sshll.u32 s22, $0x5;
	s26 =	sadd.s32 s7, s25  }
0x11: {  	s7 =	simm.s32 $0x100;
	s22 =	simm.s32 $0x7900;
	s23 =	simm.s32 $0x8100  }
0x12: {  	s25 =	simm.s32 $0x9100;
	[dreg:$0x5] =	wrdreg s5;
	s24 =	sadd.s32 s4, s8  }
0x13: {  	v2 =	vlaneseq.u32;
	[dreg:$0x7] =	wrdreg s26;
	s4 =	sadd.s32 s4, s6;
	s5 =	smax.u32 s1, $0x1  }
0x14: {  	vm0 =	vmmov $0xffff;
	v1 =	vshrl.u32 v2, $0x3;
	s6 =	simm.s32 $0x2;
	s8 =	simm.s32 $0x900;
	s26 =	simm.s32 $0x9900  }
0x15: {  	v0 =	vand.u32 $0x7, v2;
	v2 =	vor.u32 $0x8, v2;
	v1 =	vmul.u32 $0x8, v1;
	s1 =	simm.s32 $0x1;
	[dreg:$0x6] =	wrdreg s24;
	s24 =	simm.s32 $0x8900  }
.LBB2_1:
0x16: {  	s0 =	rddreg [dreg:$0x3]  }
0x17: {  	[tilespmem:s3], [sflag:$0x2] =	stream.linear.gather [hbm4b:s0+s3], $0xC0, $0x38;
	[tilespmem:$0xC100] =	vst v63  }
0x18: {  	_ =	swait.ge [sflag:s6], $0xC0  }
0x19: {  	[sflag:s6] =	ssyncset.done $0x0  }
0x1a: {  	[sflag:s6] =	ssyncadd.s32 $0xFFFFFF40  }
0x1b: {  	v3 =	vld [tilespmem:$0x0];
	_ =	sdelay $0x4  }
0x1c: {  	v4 =	vshll.u32 v3, $0x1  }
0x1d: {  	v3 =	vand.u32 $0x7, v3;
	v4 =	vand.u32 $0xFFFFFFF0, v4  }
0x1e: {  	v3 =	vor.u32 v3, v4  }
0x1f: {  	v4 =	vperm.xlane v3, v0;
	_ =	sdelay $0x1  }
0x20: {  	v3 =	vperm.xlane v3, v2;
	v4 =	vadd.s32 v1, v4;
	_ =	sdelay $0x1  }
0x21: {  	v3 =	vadd.s32 v1, v3;
	_ =	sdelay $0x2  }
0x22: {  	[tilespmem:s7], [sflag:$0x1] =	stream.indirect_vreg.gather [hbm4b:s2+s3], $0x80, v4, vm0, $0xb8;
	[tilespmem:$0xC100] =	vst v63  }
0x23: {  	_ = 	snop  }
0x24: {  	[tilespmem:s8], [sflag:$0x1] =	stream.indirect_vreg.gather [hbm4b:s2+s3], $0x80, v3, vm0, $0xb8;
	[tilespmem:$0xC100] =	vst v63  }
0x25: {  	v3 =	vld [tilespmem:$0x10];
	_ =	sdelay $0x4  }
0x26: {  	v29 =	vshll.u32 v3, $0x1  }
0x27: {  	v3 =	vand.u32 $0x7, v3;
	v4 =	vand.u32 $0xFFFFFFF0, v29  }
0x28: {  	v3 =	vor.u32 v3, v4  }
0x29: {  	v4 =	vperm.xlane v3, v0;
	_ =	sdelay $0x1  }
0x2a: {  	v3 =	vperm.xlane v3, v2;
	v4 =	vadd.s32 v1, v4;
	_ =	sdelay $0x1  }
0x2b: {  	v3 =	vadd.s32 v1, v3;
	_ =	sdelay $0x2  }
0x2c: {  	[tilespmem:s9], [sflag:$0x1] =	stream.indirect_vreg.gather [hbm4b:s2+s3], $0x80, v4, vm0, $0xb8;
	[tilespmem:$0xC100] =	vst v63  }
0x2d: {  	_ = 	snop  }
0x2e: {  	[tilespmem:s10], [sflag:$0x1] =	stream.indirect_vreg.gather [hbm4b:s2+s3], $0x80, v3, vm0, $0xb8;
	[tilespmem:$0xC100] =	vst v63  }
0x2f: {  	v3 =	vld [tilespmem:$0x20];
	_ =	sdelay $0x4  }
0x30: {  	v30 =	vshll.u32 v3, $0x1  }
0x31: {  	v3 =	vand.u32 $0x7, v3;
	v4 =	vand.u32 $0xFFFFFFF0, v30  }
0x32: {  	v3 =	vor.u32 v3, v4  }
0x33: {  	v4 =	vperm.xlane v3, v0;
	_ =	sdelay $0x1  }
0x34: {  	v3 =	vperm.xlane v3, v2;
	v4 =	vadd.s32 v1, v4;
	_ =	sdelay $0x1  }
0x35: {  	v3 =	vadd.s32 v1, v3;
	_ =	sdelay $0x2  }
0x36: {  	[tilespmem:s11], [sflag:$0x1] =	stream.indirect_vreg.gather [hbm4b:s2+s3], $0x80, v4, vm0, $0xb8;
	[tilespmem:$0xC100] =	vst v63  }
0x37: {  	_ = 	snop  }
0x38: {  	[tilespmem:s12], [sflag:$0x1] =	stream.indirect_vreg.gather [hbm4b:s2+s3], $0x80, v3, vm0, $0xb8;
	[tilespmem:$0xC100] =	vst v63  }
0x39: {  	v3 =	vld [tilespmem:$0x30];
	_ =	sdelay $0x4  }
0x3a: {  	v31 =	vshll.u32 v3, $0x1  }
0x3b: {  	v3 =	vand.u32 $0x7, v3;
	v4 =	vand.u32 $0xFFFFFFF0, v31  }
0x3c: {  	v3 =	vor.u32 v3, v4  }
0x3d: {  	v4 =	vperm.xlane v3, v0;
	_ =	sdelay $0x1  }
0x3e: {  	v3 =	vperm.xlane v3, v2;
	v4 =	vadd.s32 v1, v4;
	_ =	sdelay $0x1  }
0x3f: {  	v3 =	vadd.s32 v1, v3;
	_ =	sdelay $0x2  }
0x40: {  	[tilespmem:s13], [sflag:$0x1] =	stream.indirect_vreg.gather [hbm4b:s2+s3], $0x80, v4, vm0, $0xb8;
	[tilespmem:$0xC100] =	vst v63  }
0x41: {  	_ = 	snop  }
0x42: {  	[tilespmem:s14], [sflag:$0x1] =	stream.indirect_vreg.gather [hbm4b:s2+s3], $0x80, v3, vm0, $0xb8;
	[tilespmem:$0xC100] =	vst v63  }
0x43: {  	v3 =	vld [tilespmem:$0x40];
	_ =	sdelay $0x4  }
0x44: {  	v32 =	vshll.u32 v3, $0x1  }
0x45: {  	v3 =	vand.u32 $0x7, v3;
	v4 =	vand.u32 $0xFFFFFFF0, v32  }
0x46: {  	v3 =	vor.u32 v3, v4  }
0x47: {  	v4 =	vperm.xlane v3, v0;
	_ =	sdelay $0x1  }
0x48: {  	v3 =	vperm.xlane v3, v2;
	v4 =	vadd.s32 v1, v4;
	_ =	sdelay $0x1  }
0x49: {  	v3 =	vadd.s32 v1, v3;
	_ =	sdelay $0x2  }
0x4a: {  	[tilespmem:s15], [sflag:$0x1] =	stream.indirect_vreg.gather [hbm4b:s2+s3], $0x80, v4, vm0, $0xb8;
	[tilespmem:$0xC100] =	vst v63  }
0x4b: {  	_ = 	snop  }
0x4c: {  	[tilespmem:s16], [sflag:$0x1] =	stream.indirect_vreg.gather [hbm4b:s2+s3], $0x80, v3, vm0, $0xb8;
	[tilespmem:$0xC100] =	vst v63  }
0x4d: {  	v3 =	vld [tilespmem:$0x50];
	_ =	sdelay $0x4  }
0x4e: {  	v33 =	vshll.u32 v3, $0x1  }
0x4f: {  	v3 =	vand.u32 $0x7, v3;
	v4 =	vand.u32 $0xFFFFFFF0, v33  }
0x50: {  	v3 =	vor.u32 v3, v4  }
0x51: {  	v4 =	vperm.xlane v3, v0;
	_ =	sdelay $0x1  }
0x52: {  	v3 =	vperm.xlane v3, v2;
	v4 =	vadd.s32 v1, v4;
	_ =	sdelay $0x1  }
0x53: {  	v3 =	vadd.s32 v1, v3;
	_ =	sdelay $0x2  }
0x54: {  	[tilespmem:s17], [sflag:$0x1] =	stream.indirect_vreg.gather [hbm4b:s2+s3], $0x80, v4, vm0, $0xb8;
	[tilespmem:$0xC100] =	vst v63  }
0x55: {  	_ = 	snop  }
0x56: {  	[tilespmem:s18], [sflag:$0x1] =	stream.indirect_vreg.gather [hbm4b:s2+s3], $0x80, v3, vm0, $0xb8;
	[tilespmem:$0xC100] =	vst v63  }
0x57: {  	v3 =	vld [tilespmem:$0x60];
	_ =	sdelay $0x4  }
0x58: {  	v34 =	vshll.u32 v3, $0x1  }
0x59: {  	v3 =	vand.u32 $0x7, v3;
	v4 =	vand.u32 $0xFFFFFFF0, v34  }
0x5a: {  	v3 =	vor.u32 v3, v4  }
0x5b: {  	v4 =	vperm.xlane v3, v0;
	_ =	sdelay $0x1  }
0x5c: {  	v3 =	vperm.xlane v3, v2;
	v4 =	vadd.s32 v1, v4;
	_ =	sdelay $0x1  }
0x5d: {  	v3 =	vadd.s32 v1, v3;
	_ =	sdelay $0x2  }
0x5e: {  	[tilespmem:s19], [sflag:$0x1] =	stream.indirect_vreg.gather [hbm4b:s2+s3], $0x80, v4, vm0, $0xb8;
	[tilespmem:$0xC100] =	vst v63  }
0x5f: {  	_ = 	snop  }
0x60: {  	[tilespmem:s20], [sflag:$0x1] =	stream.indirect_vreg.gather [hbm4b:s2+s3], $0x80, v3, vm0, $0xb8;
	[tilespmem:$0xC100] =	vst v63  }
0x61: {  	v3 =	vld [tilespmem:$0x70];
	_ =	sdelay $0x4  }
0x62: {  	v35 =	vshll.u32 v3, $0x1  }
0x63: {  	v3 =	vand.u32 $0x7, v3;
	v4 =	vand.u32 $0xFFFFFFF0, v35  }
0x64: {  	v3 =	vor.u32 v3, v4  }
0x65: {  	v4 =	vperm.xlane v3, v0;
	_ =	sdelay $0x1  }
0x66: {  	v3 =	vperm.xlane v3, v2;
	v4 =	vadd.s32 v1, v4;
	_ =	sdelay $0x1  }
0x67: {  	v3 =	vadd.s32 v1, v3;
	_ =	sdelay $0x2  }
0x68: {  	[tilespmem:s21], [sflag:$0x1] =	stream.indirect_vreg.gather [hbm4b:s2+s3], $0x80, v4, vm0, $0xb8;
	[tilespmem:$0xC100] =	vst v63  }
0x69: {  	_ = 	snop  }
0x6a: {  	[tilespmem:s22], [sflag:$0x1] =	stream.indirect_vreg.gather [hbm4b:s2+s3], $0x80, v3, vm0, $0xb8;
	[tilespmem:$0xC100] =	vst v63  }
0x6b: {  	v3 =	vld [tilespmem:$0x80];
	_ =	sdelay $0x4  }
0x6c: {  	v36 =	vshll.u32 v3, $0x1  }
0x6d: {  	v3 =	vand.u32 $0x7, v3;
	v4 =	vand.u32 $0xFFFFFFF0, v36  }
0x6e: {  	v3 =	vor.u32 v3, v4  }
0x6f: {  	v4 =	vperm.xlane v3, v0;
	_ =	sdelay $0x1  }
0x70: {  	v3 =	vperm.xlane v3, v2;
	v4 =	vadd.s32 v1, v4;
	_ =	sdelay $0x1  }
0x71: {  	v3 =	vadd.s32 v1, v3;
	_ =	sdelay $0x2  }
0x72: {  	[tilespmem:s23], [sflag:$0x1] =	stream.indirect_vreg.gather [hbm4b:s2+s3], $0x80, v4, vm0, $0xb8;
	[tilespmem:$0xC100] =	vst v63  }
0x73: {  	_ = 	snop  }
0x74: {  	[tilespmem:s24], [sflag:$0x1] =	stream.indirect_vreg.gather [hbm4b:s2+s3], $0x80, v3, vm0, $0xb8;
	[tilespmem:$0xC100] =	vst v63  }
0x75: {  	v3 =	vld [tilespmem:$0x90];
	_ =	sdelay $0x4  }
0x76: {  	v37 =	vshll.u32 v3, $0x1  }
0x77: {  	v3 =	vand.u32 $0x7, v3;
	v4 =	vand.u32 $0xFFFFFFF0, v37  }
0x78: {  	v3 =	vor.u32 v3, v4  }
0x79: {  	v4 =	vperm.xlane v3, v0;
	_ =	sdelay $0x1  }
0x7a: {  	v3 =	vperm.xlane v3, v2;
	v4 =	vadd.s32 v1, v4;
	_ =	sdelay $0x1  }
0x7b: {  	v3 =	vadd.s32 v1, v3;
	_ =	sdelay $0x2  }
0x7c: {  	[tilespmem:s25], [sflag:$0x1] =	stream.indirect_vreg.gather [hbm4b:s2+s3], $0x80, v4, vm0, $0xb8;
	[tilespmem:$0xC100] =	vst v63  }
0x7d: {  	_ = 	snop  }
0x7e: {  	[tilespmem:s26], [sflag:$0x1] =	stream.indirect_vreg.gather [hbm4b:s2+s3], $0x80, v3, vm0, $0xb8;
	[tilespmem:$0xC100] =	vst v63  }
0x7f: {  	v3 =	vld [tilespmem:$0xA0];
	_ =	sdelay $0x4  }
0x80: {  	v38 =	vshll.u32 v3, $0x1  }
0x81: {  	v3 =	vand.u32 $0x7, v3;
	v4 =	vand.u32 $0xFFFFFFF0, v38  }
0x82: {  	v3 =	vor.u32 v3, v4  }
0x83: {  	v4 =	vperm.xlane v3, v0;
	_ =	sdelay $0x1  }
0x84: {  	v3 =	vperm.xlane v3, v2;
	v4 =	vadd.s32 v1, v4;
	_ =	sdelay $0x1  }
0x85: {  	v3 =	vadd.s32 v1, v3;
	_ =	sdelay $0x2  }
0x86: {  	[tilespmem:s28], [sflag:$0x1] =	stream.indirect_vreg.gather [hbm4b:s2+s3], $0x80, v4, vm0, $0xb8;
	[tilespmem:$0xC100] =	vst v63  }
0x87: {  	_ = 	snop  }
0x88: {  	[tilespmem:s29], [sflag:$0x1] =	stream.indirect_vreg.gather [hbm4b:s2+s3], $0x80, v3, vm0, $0xb8;
	[tilespmem:$0xC100] =	vst v63  }
0x89: {  	v3 =	vld [tilespmem:$0xB0];
	_ =	sdelay $0x4  }
0x8a: {  	v39 =	vshll.u32 v3, $0x1  }
0x8b: {  	v3 =	vand.u32 $0x7, v3;
	v4 =	vand.u32 $0xFFFFFFF0, v39  }
0x8c: {  	v3 =	vor.u32 v3, v4  }
0x8d: {  	v4 =	vperm.xlane v3, v0;
	_ =	sdelay $0x1  }
0x8e: {  	v3 =	vperm.xlane v3, v2;
	v4 =	vadd.s32 v1, v4;
	_ =	sdelay $0x1  }
0x8f: {  	v3 =	vadd.s32 v1, v3;
	_ =	sdelay $0x2  }
0x90: {  	[tilespmem:s30], [sflag:$0x1] =	stream.indirect_vreg.gather [hbm4b:s2+s3], $0x80, v4, vm0, $0xb8;
	[tilespmem:$0xC100] =	vst v63  }
0x91: {  	_ = 	snop  }
0x92: {  	[tilespmem:s31], [sflag:$0x1] =	stream.indirect_vreg.gather [hbm4b:s2+s3], $0x80, v3, vm0, $0xb8;
	[tilespmem:$0xC100] =	vst v63  }
0x93: {  	_ =	swait.ge [sflag:s1], $0xC000  }
0x94: {  	[sflag:s1] =	ssyncset.done $0x0  }
0x95: {  	s0 =	rddreg [dreg:$0x4];
	[sflag:s1] =	ssyncadd.s32 $0xFFFF4000  }
0x96: {  	[hbm4b:s0+s3] =	stream.linear.scatter [tilespmem:s7], [sflag:$0x2], $0xC000, $0x38;
	[tilespmem:$0xC100] =	vst v63  }
0x97: {  	_ =	swait.ge [sflag:s6], $0xC000  }
0x98: {  	[sflag:s6] =	ssyncset.done $0x0  }
0x99: {  	s0 =	rddreg [dreg:$0x5];
	[sflag:s6] =	ssyncadd.s32 $0xFFFF4000  }
0x9a: {  	[tilespmem:s3], [sflag:$0x2] =	stream.linear.gather [hbm4b:s0+s3], $0xC0, $0x38;
	[tilespmem:$0xC100] =	vst v63  }
0x9b: {  	_ =	swait.ge [sflag:s6], $0xC0  }
0x9c: {  	[sflag:s6] =	ssyncset.done $0x0  }
0x9d: {  	[sflag:s6] =	ssyncadd.s32 $0xFFFFFF40  }
0x9e: {  	v3 =	vld [tilespmem:$0x0];
	_ =	sdelay $0x4  }
0x9f: {  	v40 =	vshll.u32 v3, $0x1  }
0xa0: {  	v3 =	vand.u32 $0x7, v3;
	v4 =	vand.u32 $0xFFFFFFF0, v40  }
0xa1: {  	v3 =	vor.u32 v3, v4  }
0xa2: {  	v4 =	vperm.xlane v3, v0;
	_ =	sdelay $0x1  }
0xa3: {  	v3 =	vperm.xlane v3, v2;
	v4 =	vadd.s32 v1, v4;
	_ =	sdelay $0x1  }
0xa4: {  	v3 =	vadd.s32 v1, v3;
	_ =	sdelay $0x2  }
0xa5: {  	[tilespmem:s7], [sflag:$0x1] =	stream.indirect_vreg.gather [hbm4b:s2+s3], $0x80, v4, vm0, $0xb8;
	[tilespmem:$0xC100] =	vst v63  }
0xa6: {  	_ = 	snop  }
0xa7: {  	[tilespmem:s8], [sflag:$0x1] =	stream.indirect_vreg.gather [hbm4b:s2+s3], $0x80, v3, vm0, $0xb8;
	[tilespmem:$0xC100] =	vst v63  }
0xa8: {  	v3 =	vld [tilespmem:$0x10];
	_ =	sdelay $0x4  }
0xa9: {  	v41 =	vshll.u32 v3, $0x1  }
0xaa: {  	v3 =	vand.u32 $0x7, v3;
	v4 =	vand.u32 $0xFFFFFFF0, v41  }
0xab: {  	v3 =	vor.u32 v3, v4  }
0xac: {  	v4 =	vperm.xlane v3, v0;
	_ =	sdelay $0x1  }
0xad: {  	v3 =	vperm.xlane v3, v2;
	v4 =	vadd.s32 v1, v4;
	_ =	sdelay $0x1  }
0xae: {  	v3 =	vadd.s32 v1, v3;
	_ =	sdelay $0x2  }
0xaf: {  	[tilespmem:s9], [sflag:$0x1] =	stream.indirect_vreg.gather [hbm4b:s2+s3], $0x80, v4, vm0, $0xb8;
	[tilespmem:$0xC100] =	vst v63  }
0xb0: {  	_ = 	snop  }
0xb1: {  	[tilespmem:s10], [sflag:$0x1] =	stream.indirect_vreg.gather [hbm4b:s2+s3], $0x80, v3, vm0, $0xb8;
	[tilespmem:$0xC100] =	vst v63  }
0xb2: {  	v3 =	vld [tilespmem:$0x20];
	_ =	sdelay $0x4  }
0xb3: {  	v42 =	vshll.u32 v3, $0x1  }
0xb4: {  	v3 =	vand.u32 $0x7, v3;
	v4 =	vand.u32 $0xFFFFFFF0, v42  }
0xb5: {  	v3 =	vor.u32 v3, v4  }
0xb6: {  	v4 =	vperm.xlane v3, v0;
	_ =	sdelay $0x1  }
0xb7: {  	v3 =	vperm.xlane v3, v2;
	v4 =	vadd.s32 v1, v4;
	_ =	sdelay $0x1  }
0xb8: {  	v3 =	vadd.s32 v1, v3;
	_ =	sdelay $0x2  }
0xb9: {  	[tilespmem:s11], [sflag:$0x1] =	stream.indirect_vreg.gather [hbm4b:s2+s3], $0x80, v4, vm0, $0xb8;
	[tilespmem:$0xC100] =	vst v63  }
0xba: {  	_ = 	snop  }
0xbb: {  	[tilespmem:s12], [sflag:$0x1] =	stream.indirect_vreg.gather [hbm4b:s2+s3], $0x80, v3, vm0, $0xb8;
	[tilespmem:$0xC100] =	vst v63  }
0xbc: {  	v3 =	vld [tilespmem:$0x30];
	_ =	sdelay $0x4  }
0xbd: {  	v43 =	vshll.u32 v3, $0x1  }
0xbe: {  	v3 =	vand.u32 $0x7, v3;
	v4 =	vand.u32 $0xFFFFFFF0, v43  }
0xbf: {  	v3 =	vor.u32 v3, v4  }
0xc0: {  	v4 =	vperm.xlane v3, v0;
	_ =	sdelay $0x1  }
0xc1: {  	v3 =	vperm.xlane v3, v2;
	v4 =	vadd.s32 v1, v4;
	_ =	sdelay $0x1  }
0xc2: {  	v3 =	vadd.s32 v1, v3;
	_ =	sdelay $0x2  }
0xc3: {  	[tilespmem:s13], [sflag:$0x1] =	stream.indirect_vreg.gather [hbm4b:s2+s3], $0x80, v4, vm0, $0xb8;
	[tilespmem:$0xC100] =	vst v63  }
0xc4: {  	_ = 	snop  }
0xc5: {  	[tilespmem:s14], [sflag:$0x1] =	stream.indirect_vreg.gather [hbm4b:s2+s3], $0x80, v3, vm0, $0xb8;
	[tilespmem:$0xC100] =	vst v63  }
0xc6: {  	v3 =	vld [tilespmem:$0x40];
	_ =	sdelay $0x4  }
0xc7: {  	v44 =	vshll.u32 v3, $0x1  }
0xc8: {  	v3 =	vand.u32 $0x7, v3;
	v4 =	vand.u32 $0xFFFFFFF0, v44  }
0xc9: {  	v3 =	vor.u32 v3, v4  }
0xca: {  	v4 =	vperm.xlane v3, v0;
	_ =	sdelay $0x1  }
0xcb: {  	v3 =	vperm.xlane v3, v2;
	v4 =	vadd.s32 v1, v4;
	_ =	sdelay $0x1  }
0xcc: {  	v3 =	vadd.s32 v1, v3;
	_ =	sdelay $0x2  }
0xcd: {  	[tilespmem:s15], [sflag:$0x1] =	stream.indirect_vreg.gather [hbm4b:s2+s3], $0x80, v4, vm0, $0xb8;
	[tilespmem:$0xC100] =	vst v63  }
0xce: {  	_ = 	snop  }
0xcf: {  	[tilespmem:s16], [sflag:$0x1] =	stream.indirect_vreg.gather [hbm4b:s2+s3], $0x80, v3, vm0, $0xb8;
	[tilespmem:$0xC100] =	vst v63  }
0xd0: {  	v3 =	vld [tilespmem:$0x50];
	_ =	sdelay $0x4  }
0xd1: {  	v45 =	vshll.u32 v3, $0x1  }
0xd2: {  	v3 =	vand.u32 $0x7, v3;
	v4 =	vand.u32 $0xFFFFFFF0, v45  }
0xd3: {  	v3 =	vor.u32 v3, v4  }
0xd4: {  	v4 =	vperm.xlane v3, v0;
	_ =	sdelay $0x1  }
0xd5: {  	v3 =	vperm.xlane v3, v2;
	v4 =	vadd.s32 v1, v4;
	_ =	sdelay $0x1  }
0xd6: {  	v3 =	vadd.s32 v1, v3;
	_ =	sdelay $0x2  }
0xd7: {  	[tilespmem:s17], [sflag:$0x1] =	stream.indirect_vreg.gather [hbm4b:s2+s3], $0x80, v4, vm0, $0xb8;
	[tilespmem:$0xC100] =	vst v63  }
0xd8: {  	_ = 	snop  }
0xd9: {  	[tilespmem:s18], [sflag:$0x1] =	stream.indirect_vreg.gather [hbm4b:s2+s3], $0x80, v3, vm0, $0xb8;
	[tilespmem:$0xC100] =	vst v63  }
0xda: {  	v3 =	vld [tilespmem:$0x60];
	_ =	sdelay $0x4  }
0xdb: {  	v46 =	vshll.u32 v3, $0x1  }
0xdc: {  	v3 =	vand.u32 $0x7, v3;
	v4 =	vand.u32 $0xFFFFFFF0, v46  }
0xdd: {  	v3 =	vor.u32 v3, v4  }
0xde: {  	v4 =	vperm.xlane v3, v0;
	_ =	sdelay $0x1  }
0xdf: {  	v3 =	vperm.xlane v3, v2;
	v4 =	vadd.s32 v1, v4;
	_ =	sdelay $0x1  }
0xe0: {  	v3 =	vadd.s32 v1, v3;
	_ =	sdelay $0x2  }
0xe1: {  	[tilespmem:s19], [sflag:$0x1] =	stream.indirect_vreg.gather [hbm4b:s2+s3], $0x80, v4, vm0, $0xb8;
	[tilespmem:$0xC100] =	vst v63  }
0xe2: {  	_ = 	snop  }
0xe3: {  	[tilespmem:s20], [sflag:$0x1] =	stream.indirect_vreg.gather [hbm4b:s2+s3], $0x80, v3, vm0, $0xb8;
	[tilespmem:$0xC100] =	vst v63  }
0xe4: {  	v3 =	vld [tilespmem:$0x70];
	_ =	sdelay $0x4  }
0xe5: {  	v47 =	vshll.u32 v3, $0x1  }
0xe6: {  	v3 =	vand.u32 $0x7, v3;
	v4 =	vand.u32 $0xFFFFFFF0, v47  }
0xe7: {  	v3 =	vor.u32 v3, v4  }
0xe8: {  	v4 =	vperm.xlane v3, v0;
	_ =	sdelay $0x1  }
0xe9: {  	v3 =	vperm.xlane v3, v2;
	v4 =	vadd.s32 v1, v4;
	_ =	sdelay $0x1  }
0xea: {  	v3 =	vadd.s32 v1, v3;
	_ =	sdelay $0x2  }
0xeb: {  	[tilespmem:s21], [sflag:$0x1] =	stream.indirect_vreg.gather [hbm4b:s2+s3], $0x80, v4, vm0, $0xb8;
	[tilespmem:$0xC100] =	vst v63  }
0xec: {  	_ = 	snop  }
0xed: {  	[tilespmem:s22], [sflag:$0x1] =	stream.indirect_vreg.gather [hbm4b:s2+s3], $0x80, v3, vm0, $0xb8;
	[tilespmem:$0xC100] =	vst v63  }
0xee: {  	v3 =	vld [tilespmem:$0x80];
	_ =	sdelay $0x4  }
0xef: {  	v48 =	vshll.u32 v3, $0x1  }
0xf0: {  	v3 =	vand.u32 $0x7, v3;
	v4 =	vand.u32 $0xFFFFFFF0, v48  }
0xf1: {  	v3 =	vor.u32 v3, v4  }
0xf2: {  	v4 =	vperm.xlane v3, v0;
	_ =	sdelay $0x1  }
0xf3: {  	v3 =	vperm.xlane v3, v2;
	v4 =	vadd.s32 v1, v4;
	_ =	sdelay $0x1  }
0xf4: {  	v3 =	vadd.s32 v1, v3;
	_ =	sdelay $0x2  }
0xf5: {  	[tilespmem:s23], [sflag:$0x1] =	stream.indirect_vreg.gather [hbm4b:s2+s3], $0x80, v4, vm0, $0xb8;
	[tilespmem:$0xC100] =	vst v63  }
0xf6: {  	_ = 	snop  }
0xf7: {  	[tilespmem:s24], [sflag:$0x1] =	stream.indirect_vreg.gather [hbm4b:s2+s3], $0x80, v3, vm0, $0xb8;
	[tilespmem:$0xC100] =	vst v63  }
0xf8: {  	v3 =	vld [tilespmem:$0x90];
	_ =	sdelay $0x4  }
0xf9: {  	v49 =	vshll.u32 v3, $0x1  }
0xfa: {  	v3 =	vand.u32 $0x7, v3;
	v4 =	vand.u32 $0xFFFFFFF0, v49  }
0xfb: {  	v3 =	vor.u32 v3, v4  }
0xfc: {  	v4 =	vperm.xlane v3, v0;
	_ =	sdelay $0x1  }
0xfd: {  	v3 =	vperm.xlane v3, v2;
	v4 =	vadd.s32 v1, v4;
	_ =	sdelay $0x1  }
0xfe: {  	v3 =	vadd.s32 v1, v3;
	_ =	sdelay $0x2  }
0xff: {  	[tilespmem:s25], [sflag:$0x1] =	stream.indirect_vreg.gather [hbm4b:s2+s3], $0x80, v4, vm0, $0xb8;
	[tilespmem:$0xC100] =	vst v63  }
0x100: {  	_ = 	snop  }
0x101: {  	[tilespmem:s26], [sflag:$0x1] =	stream.indirect_vreg.gather [hbm4b:s2+s3], $0x80, v3, vm0, $0xb8;
	[tilespmem:$0xC100] =	vst v63  }
0x102: {  	v3 =	vld [tilespmem:$0xA0];
	_ =	sdelay $0x4  }
0x103: {  	v50 =	vshll.u32 v3, $0x1  }
0x104: {  	v3 =	vand.u32 $0x7, v3;
	v4 =	vand.u32 $0xFFFFFFF0, v50  }
0x105: {  	v3 =	vor.u32 v3, v4  }
0x106: {  	v4 =	vperm.xlane v3, v0;
	_ =	sdelay $0x1  }
0x107: {  	v3 =	vperm.xlane v3, v2;
	v4 =	vadd.s32 v1, v4;
	_ =	sdelay $0x1  }
0x108: {  	v3 =	vadd.s32 v1, v3;
	_ =	sdelay $0x2  }
0x109: {  	[tilespmem:s28], [sflag:$0x1] =	stream.indirect_vreg.gather [hbm4b:s2+s3], $0x80, v4, vm0, $0xb8;
	[tilespmem:$0xC100] =	vst v63  }
0x10a: {  	_ = 	snop  }
0x10b: {  	[tilespmem:s29], [sflag:$0x1] =	stream.indirect_vreg.gather [hbm4b:s2+s3], $0x80, v3, vm0, $0xb8;
	[tilespmem:$0xC100] =	vst v63  }
0x10c: {  	v3 =	vld [tilespmem:$0xB0];
	_ =	sdelay $0x4  }
0x10d: {  	v51 =	vshll.u32 v3, $0x1  }
0x10e: {  	v3 =	vand.u32 $0x7, v3;
	v4 =	vand.u32 $0xFFFFFFF0, v51  }
0x10f: {  	v3 =	vor.u32 v3, v4  }
0x110: {  	v4 =	vperm.xlane v3, v0;
	_ =	sdelay $0x1  }
0x111: {  	v3 =	vperm.xlane v3, v2;
	v4 =	vadd.s32 v1, v4;
	_ =	sdelay $0x1  }
0x112: {  	v3 =	vadd.s32 v1, v3;
	_ =	sdelay $0x2  }
0x113: {  	[tilespmem:s30], [sflag:$0x1] =	stream.indirect_vreg.gather [hbm4b:s2+s3], $0x80, v4, vm0, $0xb8;
	[tilespmem:$0xC100] =	vst v63  }
0x114: {  	_ = 	snop  }
0x115: {  	[tilespmem:s31], [sflag:$0x1] =	stream.indirect_vreg.gather [hbm4b:s2+s3], $0x80, v3, vm0, $0xb8;
	[tilespmem:$0xC100] =	vst v63  }
0x116: {  	_ =	swait.ge [sflag:s1], $0xC000  }
0x117: {  	[sflag:s1] =	ssyncset.done $0x0  }
0x118: {  	s0 =	rddreg [dreg:$0x6];
	[sflag:s1] =	ssyncadd.s32 $0xFFFF4000  }
0x119: {  	[hbm4b:s0+s3] =	stream.linear.scatter [tilespmem:s7], [sflag:$0x2], $0xC000, $0x38;
	[tilespmem:$0xC100] =	vst v63  }
0x11a: {  	_ =	swait.ge [sflag:s6], $0xC000  }
0x11b: {  	[sflag:s6] =	ssyncset.done $0x0  }
0x11c: {  	s0 =	rddreg [dreg:$0x7];
	[sflag:s6] =	ssyncadd.s32 $0xFFFF4000  }
0x11d: {  	[tilespmem:s3], [sflag:$0x2] =	stream.linear.gather [hbm4b:s0+s3], $0xC0, $0x38;
	[tilespmem:$0xC100] =	vst v63  }
0x11e: {  	_ =	swait.ge [sflag:s6], $0xC0  }
0x11f: {  	[sflag:s6] =	ssyncset.done $0x0  }
0x120: {  	[sflag:s6] =	ssyncadd.s32 $0xFFFFFF40  }
0x121: {  	v3 =	vld [tilespmem:$0x0];
	_ =	sdelay $0x4  }
0x122: {  	v52 =	vshll.u32 v3, $0x1  }
0x123: {  	v3 =	vand.u32 $0x7, v3;
	v4 =	vand.u32 $0xFFFFFFF0, v52  }
0x124: {  	v3 =	vor.u32 v3, v4  }
0x125: {  	v4 =	vperm.xlane v3, v0;
	_ =	sdelay $0x1  }
0x126: {  	v3 =	vperm.xlane v3, v2;
	v4 =	vadd.s32 v1, v4;
	_ =	sdelay $0x1  }
0x127: {  	v3 =	vadd.s32 v1, v3;
	_ =	sdelay $0x2  }
0x128: {  	[tilespmem:s7], [sflag:$0x1] =	stream.indirect_vreg.gather [hbm4b:s2+s3], $0x80, v4, vm0, $0xb8;
	[tilespmem:$0xC100] =	vst v63  }
0x129: {  	_ = 	snop  }
0x12a: {  	[tilespmem:s8], [sflag:$0x1] =	stream.indirect_vreg.gather [hbm4b:s2+s3], $0x80, v3, vm0, $0xb8;
	[tilespmem:$0xC100] =	vst v63  }
0x12b: {  	v3 =	vld [tilespmem:$0x10];
	_ =	sdelay $0x4  }
0x12c: {  	v53 =	vshll.u32 v3, $0x1  }
0x12d: {  	v3 =	vand.u32 $0x7, v3;
	v4 =	vand.u32 $0xFFFFFFF0, v53  }
0x12e: {  	v3 =	vor.u32 v3, v4  }
0x12f: {  	v4 =	vperm.xlane v3, v0;
	_ =	sdelay $0x1  }
0x130: {  	v3 =	vperm.xlane v3, v2;
	v4 =	vadd.s32 v1, v4;
	_ =	sdelay $0x1  }
0x131: {  	v3 =	vadd.s32 v1, v3;
	_ =	sdelay $0x2  }
0x132: {  	[tilespmem:s9], [sflag:$0x1] =	stream.indirect_vreg.gather [hbm4b:s2+s3], $0x80, v4, vm0, $0xb8;
	[tilespmem:$0xC100] =	vst v63  }
0x133: {  	_ = 	snop  }
0x134: {  	[tilespmem:s10], [sflag:$0x1] =	stream.indirect_vreg.gather [hbm4b:s2+s3], $0x80, v3, vm0, $0xb8;
	[tilespmem:$0xC100] =	vst v63  }
0x135: {  	v3 =	vld [tilespmem:$0x20];
	_ =	sdelay $0x4  }
0x136: {  	v54 =	vshll.u32 v3, $0x1  }
0x137: {  	v3 =	vand.u32 $0x7, v3;
	v4 =	vand.u32 $0xFFFFFFF0, v54  }
0x138: {  	v3 =	vor.u32 v3, v4  }
0x139: {  	v4 =	vperm.xlane v3, v0;
	_ =	sdelay $0x1  }
0x13a: {  	v3 =	vperm.xlane v3, v2;
	v4 =	vadd.s32 v1, v4;
	_ =	sdelay $0x1  }
0x13b: {  	v3 =	vadd.s32 v1, v3;
	_ =	sdelay $0x2  }
0x13c: {  	[tilespmem:s11], [sflag:$0x1] =	stream.indirect_vreg.gather [hbm4b:s2+s3], $0x80, v4, vm0, $0xb8;
	[tilespmem:$0xC100] =	vst v63  }
0x13d: {  	_ = 	snop  }
0x13e: {  	[tilespmem:s12], [sflag:$0x1] =	stream.indirect_vreg.gather [hbm4b:s2+s3], $0x80, v3, vm0, $0xb8;
	[tilespmem:$0xC100] =	vst v63  }
0x13f: {  	v3 =	vld [tilespmem:$0x30];
	_ =	sdelay $0x4  }
0x140: {  	v55 =	vshll.u32 v3, $0x1  }
0x141: {  	v3 =	vand.u32 $0x7, v3;
	v4 =	vand.u32 $0xFFFFFFF0, v55  }
0x142: {  	v3 =	vor.u32 v3, v4  }
0x143: {  	v4 =	vperm.xlane v3, v0;
	_ =	sdelay $0x1  }
0x144: {  	v3 =	vperm.xlane v3, v2;
	v4 =	vadd.s32 v1, v4;
	_ =	sdelay $0x1  }
0x145: {  	v3 =	vadd.s32 v1, v3;
	_ =	sdelay $0x2  }
0x146: {  	[tilespmem:s13], [sflag:$0x1] =	stream.indirect_vreg.gather [hbm4b:s2+s3], $0x80, v4, vm0, $0xb8;
	[tilespmem:$0xC100] =	vst v63  }
0x147: {  	_ = 	snop  }
0x148: {  	[tilespmem:s14], [sflag:$0x1] =	stream.indirect_vreg.gather [hbm4b:s2+s3], $0x80, v3, vm0, $0xb8;
	[tilespmem:$0xC100] =	vst v63  }
0x149: {  	v3 =	vld [tilespmem:$0x40];
	_ =	sdelay $0x4  }
0x14a: {  	v56 =	vshll.u32 v3, $0x1  }
0x14b: {  	v3 =	vand.u32 $0x7, v3;
	v4 =	vand.u32 $0xFFFFFFF0, v56  }
0x14c: {  	v3 =	vor.u32 v3, v4  }
0x14d: {  	v4 =	vperm.xlane v3, v0;
	_ =	sdelay $0x1  }
0x14e: {  	v3 =	vperm.xlane v3, v2;
	v4 =	vadd.s32 v1, v4;
	_ =	sdelay $0x1  }
0x14f: {  	v3 =	vadd.s32 v1, v3;
	_ =	sdelay $0x2  }
0x150: {  	[tilespmem:s15], [sflag:$0x1] =	stream.indirect_vreg.gather [hbm4b:s2+s3], $0x80, v4, vm0, $0xb8;
	[tilespmem:$0xC100] =	vst v63  }
0x151: {  	_ = 	snop  }
0x152: {  	[tilespmem:s16], [sflag:$0x1] =	stream.indirect_vreg.gather [hbm4b:s2+s3], $0x80, v3, vm0, $0xb8;
	[tilespmem:$0xC100] =	vst v63  }
0x153: {  	v3 =	vld [tilespmem:$0x50];
	_ =	sdelay $0x4  }
0x154: {  	v57 =	vshll.u32 v3, $0x1  }
0x155: {  	v3 =	vand.u32 $0x7, v3;
	v4 =	vand.u32 $0xFFFFFFF0, v57  }
0x156: {  	v3 =	vor.u32 v3, v4  }
0x157: {  	v4 =	vperm.xlane v3, v0;
	_ =	sdelay $0x1  }
0x158: {  	v3 =	vperm.xlane v3, v2;
	v4 =	vadd.s32 v1, v4;
	_ =	sdelay $0x1  }
0x159: {  	v3 =	vadd.s32 v1, v3;
	_ =	sdelay $0x2  }
0x15a: {  	[tilespmem:s17], [sflag:$0x1] =	stream.indirect_vreg.gather [hbm4b:s2+s3], $0x80, v4, vm0, $0xb8;
	[tilespmem:$0xC100] =	vst v63  }
0x15b: {  	_ = 	snop  }
0x15c: {  	[tilespmem:s18], [sflag:$0x1] =	stream.indirect_vreg.gather [hbm4b:s2+s3], $0x80, v3, vm0, $0xb8;
	[tilespmem:$0xC100] =	vst v63  }
0x15d: {  	v3 =	vld [tilespmem:$0x60];
	_ =	sdelay $0x4  }
0x15e: {  	v58 =	vshll.u32 v3, $0x1  }
0x15f: {  	v3 =	vand.u32 $0x7, v3;
	v4 =	vand.u32 $0xFFFFFFF0, v58  }
0x160: {  	v3 =	vor.u32 v3, v4  }
0x161: {  	v4 =	vperm.xlane v3, v0;
	_ =	sdelay $0x1  }
0x162: {  	v3 =	vperm.xlane v3, v2;
	v4 =	vadd.s32 v1, v4;
	_ =	sdelay $0x1  }
0x163: {  	v3 =	vadd.s32 v1, v3;
	_ =	sdelay $0x2  }
0x164: {  	[tilespmem:s19], [sflag:$0x1] =	stream.indirect_vreg.gather [hbm4b:s2+s3], $0x80, v4, vm0, $0xb8;
	[tilespmem:$0xC100] =	vst v63  }
0x165: {  	_ = 	snop  }
0x166: {  	[tilespmem:s20], [sflag:$0x1] =	stream.indirect_vreg.gather [hbm4b:s2+s3], $0x80, v3, vm0, $0xb8;
	[tilespmem:$0xC100] =	vst v63  }
0x167: {  	v3 =	vld [tilespmem:$0x70];
	_ =	sdelay $0x4  }
0x168: {  	v59 =	vshll.u32 v3, $0x1  }
0x169: {  	v3 =	vand.u32 $0x7, v3;
	v4 =	vand.u32 $0xFFFFFFF0, v59  }
0x16a: {  	v3 =	vor.u32 v3, v4  }
0x16b: {  	v4 =	vperm.xlane v3, v0;
	_ =	sdelay $0x1  }
0x16c: {  	v3 =	vperm.xlane v3, v2;
	v4 =	vadd.s32 v1, v4;
	_ =	sdelay $0x1  }
0x16d: {  	v3 =	vadd.s32 v1, v3;
	_ =	sdelay $0x2  }
0x16e: {  	[tilespmem:s21], [sflag:$0x1] =	stream.indirect_vreg.gather [hbm4b:s2+s3], $0x80, v4, vm0, $0xb8;
	[tilespmem:$0xC100] =	vst v63  }
0x16f: {  	_ = 	snop  }
0x170: {  	[tilespmem:s22], [sflag:$0x1] =	stream.indirect_vreg.gather [hbm4b:s2+s3], $0x80, v3, vm0, $0xb8;
	[tilespmem:$0xC100] =	vst v63  }
0x171: {  	v3 =	vld [tilespmem:$0x80];
	_ =	sdelay $0x4  }
0x172: {  	v60 =	vshll.u32 v3, $0x1  }
0x173: {  	v3 =	vand.u32 $0x7, v3;
	v4 =	vand.u32 $0xFFFFFFF0, v60  }
0x174: {  	v3 =	vor.u32 v3, v4  }
0x175: {  	v4 =	vperm.xlane v3, v0;
	_ =	sdelay $0x1  }
0x176: {  	v3 =	vperm.xlane v3, v2;
	v4 =	vadd.s32 v1, v4;
	_ =	sdelay $0x1  }
0x177: {  	v3 =	vadd.s32 v1, v3;
	_ =	sdelay $0x2  }
0x178: {  	[tilespmem:s23], [sflag:$0x1] =	stream.indirect_vreg.gather [hbm4b:s2+s3], $0x80, v4, vm0, $0xb8;
	[tilespmem:$0xC100] =	vst v63  }
0x179: {  	_ = 	snop  }
0x17a: {  	[tilespmem:s24], [sflag:$0x1] =	stream.indirect_vreg.gather [hbm4b:s2+s3], $0x80, v3, vm0, $0xb8;
	[tilespmem:$0xC100] =	vst v63  }
0x17b: {  	v3 =	vld [tilespmem:$0x90];
	_ =	sdelay $0x4  }
0x17c: {  	v61 =	vshll.u32 v3, $0x1  }
0x17d: {  	v3 =	vand.u32 $0x7, v3;
	v4 =	vand.u32 $0xFFFFFFF0, v61  }
0x17e: {  	v3 =	vor.u32 v3, v4  }
0x17f: {  	v4 =	vperm.xlane v3, v0;
	_ =	sdelay $0x1  }
0x180: {  	v3 =	vperm.xlane v3, v2;
	v4 =	vadd.s32 v1, v4;
	_ =	sdelay $0x1  }
0x181: {  	v3 =	vadd.s32 v1, v3;
	_ =	sdelay $0x2  }
0x182: {  	[tilespmem:s25], [sflag:$0x1] =	stream.indirect_vreg.gather [hbm4b:s2+s3], $0x80, v4, vm0, $0xb8;
	[tilespmem:$0xC100] =	vst v63  }
0x183: {  	_ = 	snop  }
0x184: {  	[tilespmem:s26], [sflag:$0x1] =	stream.indirect_vreg.gather [hbm4b:s2+s3], $0x80, v3, vm0, $0xb8;
	[tilespmem:$0xC100] =	vst v63  }
0x185: {  	v3 =	vld [tilespmem:$0xA0];
	_ =	sdelay $0x4  }
0x186: {  	v62 =	vshll.u32 v3, $0x1  }
0x187: {  	v3 =	vand.u32 $0x7, v3;
	v4 =	vand.u32 $0xFFFFFFF0, v62  }
0x188: {  	v3 =	vor.u32 v3, v4  }
0x189: {  	v4 =	vperm.xlane v3, v0;
	_ =	sdelay $0x1  }
0x18a: {  	v3 =	vperm.xlane v3, v2;
	v4 =	vadd.s32 v1, v4;
	_ =	sdelay $0x1  }
0x18b: {  	v3 =	vadd.s32 v1, v3;
	_ =	sdelay $0x2  }
0x18c: {  	[tilespmem:s28], [sflag:$0x1] =	stream.indirect_vreg.gather [hbm4b:s2+s3], $0x80, v4, vm0, $0xb8;
	[tilespmem:$0xC100] =	vst v63  }
0x18d: {  	_ = 	snop  }
0x18e: {  	[tilespmem:s29], [sflag:$0x1] =	stream.indirect_vreg.gather [hbm4b:s2+s3], $0x80, v3, vm0, $0xb8;
	[tilespmem:$0xC100] =	vst v63  }
0x18f: {  	v3 =	vld [tilespmem:$0xB0];
	_ =	sdelay $0x4  }
0x190: {  	v63 =	vshll.u32 v3, $0x1  }
0x191: {  	v3 =	vand.u32 $0x7, v3;
	v4 =	vand.u32 $0xFFFFFFF0, v63  }
0x192: {  	v3 =	vor.u32 v3, v4  }
0x193: {  	v4 =	vperm.xlane v3, v0;
	_ =	sdelay $0x1  }
0x194: {  	v3 =	vperm.xlane v3, v2;
	v4 =	vadd.s32 v1, v4;
	_ =	sdelay $0x1  }
0x195: {  	v3 =	vadd.s32 v1, v3;
	_ =	sdelay $0x2  }
0x196: {  	[tilespmem:s30], [sflag:$0x1] =	stream.indirect_vreg.gather [hbm4b:s2+s3], $0x80, v4, vm0, $0xb8;
	[tilespmem:$0xC100] =	vst v63  }
0x197: {  	_ = 	snop  }
0x198: {  	[tilespmem:s31], [sflag:$0x1] =	stream.indirect_vreg.gather [hbm4b:s2+s3], $0x80, v3, vm0, $0xb8;
	[tilespmem:$0xC100] =	vst v63  }
0x199: {  	_ =	swait.ge [sflag:s1], $0xC000  }
0x19a: {  	p0 =	sne.s32 s5, $0x1;
	[sflag:s1] =	ssyncset.done $0x0  }
.Ltmp0:
0x19b: {  	[sflag:s1] =	ssyncadd.s32 $0xFFFF4000;
	(pc) =	sbr.rel @p0 .LBB2_1-.Ltmp0, $4  }
0x19c: {  	[hbm4b:s4+s3] =	stream.linear.scatter [tilespmem:s7], [sflag:$0x2], $0xC000, $0x38;
	[tilespmem:$0xC100] =	vst v63  }
0x19d: {  	_ =	swait.ge [sflag:s6], $0xC000  }
0x19e: {  	[sflag:s6] =	ssyncset.done $0x0  }
0x19f: {  	s5 =	sadd.s32 $0xFFFFFFFF, s5;
	[sflag:s6] =	ssyncadd.s32 $0xFFFF4000  }
0x1a0: {  	_ =	sfence.sel $0x180000  }
0x1a1: {  	[bflag:$0x0] =	sbarrier.arrive $0xFFFF  }
0x1a2: {  	_ =	strace $0x90000047  }
0x1a3: {  	s0 =	stileid.u32;
	[bflag:$0x2] =	sbarrier.arrive $0xFFFF  }
0x1a4: {  	p0 =	sne.s32 s0, $0x0;
	s0 =	rddreg [dreg:$0x2]  }
0x1a5: {  	s0 =	sadd.s32 @!p0 $0x100000, s0  }
0x1a6: {  	[sflag:s0] =	ssyncadd.tile.s32 @!p0 $0x1;
	_ =	shalt  }
.Lfunc_end2:
_tile_overlayer_lowered:
.L_overlay_start_2:
0x1a7: {  	(tag) =	ssettag $0x2  }
0x1a8: {  	s0 =	rddreg [dreg:$0x0];
	s2 =	stileid.u32  }
0x1a9: {  	s1 =	rddreg [dreg:$0x1];
	p0 =	sne.s32 s2, $0x0  }
0x1aa: {  	s3 =	rddreg [dreg:$0x2];
	[bflag:$0x3] =	sbarrier.arrive $0xFFFF;
	s2 =	simm.s32 @!p0 $0x1C02  }
0x1ab: {  	[timem:s3], [sflag:s2] =	dma.local @!p0 [hbm:s0], s1  }
0x1ac: {  	s0 =	simm.s32 @!p0 $0x2  }
0x1ad: {  	_ =	swait.ge @!p0 [sflag:s0], s1  }
0x1ae: {  	s1 =	ssub.s32 @!p0 $0x0, s1;
	[sflag:s0] =	ssyncset.done @!p0 $0x0  }
0x1af: {  	[sflag:s0] =	ssyncadd.s32 @!p0 s1  }
0x1b0: {  	[bflag:$0x3] =	sbarrier.arrive $0xFFFF  }
0x1b1: {  	_ =	shalt  }

</sc_bundles>
